<compile_context>
chip_gen: v7x
topology: tpu7x:2x2x1
jax: 0.10.2.dev20260603
libtpu: 0.0.44.dev20260713+nightly
codegen_flags: <defaults>
</compile_context>

<pallas_src>
import jax
import jax.numpy as jnp
from jax import lax
from jax.experimental import pallas as pl
from jax.experimental.pallas import tpu as pltpu
from jax.experimental.pallas import tpu_sc as plsc

B = 16384
D = 64
N_ROWS = 1000000
EPS = 1e-5

_BL = 2048
_NBLK = 245
_HALF0 = _NBLK * _BL
_LASTBLK = (N_ROWS + _BL - 1) // _BL - 1

_NC = 2
_NS = 16
_NW = _NC * _NS
_BPW = B // _NW
_CH = 128
_NCH = _BPW // _CH


def _relayout_body(x1_ref, x2_ref, out_ref):
    xt1 = jnp.transpose(x1_ref[...])
    xt2 = jnp.transpose(x2_ref[...])
    out_ref[...] = jnp.concatenate([xt1, xt2], axis=1)


def _relayout(tt):
    return pl.pallas_call(
        _relayout_body,
        grid=(_NBLK,),
        in_specs=[
            pl.BlockSpec((D, _BL), lambda i: (0, i)),
            pl.BlockSpec((D, _BL), lambda i: (0, jnp.minimum(i + _NBLK, _LASTBLK))),
        ],
        out_specs=pl.BlockSpec((_BL, 2 * D), lambda i: (i, 0)),
        out_shape=jax.ShapeDtypeStruct((_HALF0, 2 * D), jnp.float32),
    )(tt, tt)


def _gather_one(id_hbm, c_hbm, out_hbm, base, idx_v, fidx_v, rows_v, sem):
    for c in range(_NCH):
        pltpu.sync_copy(id_hbm.at[pl.ds(base + c * _CH, _CH)], idx_v.at[c])
    for c in range(_NCH):
        for g in range(_CH // 16):
            v = idx_v[c, pl.ds(g * 16, 16)]
            fidx_v[c, pl.ds(g * 16, 16)] = jnp.where(v < _HALF0, v, v - _HALF0)
    for c in range(_NCH):
        pltpu.async_copy(c_hbm.at[fidx_v.at[c]],
                         rows_v.at[pl.ds(c * _CH, _CH)], sem)
    pltpu.make_async_copy(c_hbm.at[pl.ds(0, _BPW)], rows_v, sem).wait()
    pltpu.sync_copy(rows_v, out_hbm.at[pl.ds(base, _BPW)])


def _gather_body(uid_hbm, iid_hbm, uc_hbm, ic_hbm, uout, iout,
                 idx_v, fidx_v, rows_v, sem):
    wid = lax.axis_index("s") * _NC + lax.axis_index("c")
    base = wid * _BPW
    _gather_one(uid_hbm, uc_hbm, uout, base, idx_v, fidx_v, rows_v, sem)
    _gather_one(iid_hbm, ic_hbm, iout, base, idx_v, fidx_v, rows_v, sem)


def _sc_gather(user_ids, item_ids, uc, ic):
    mesh = plsc.VectorSubcoreMesh(core_axis_name="c", subcore_axis_name="s")
    f = pl.kernel(
        _gather_body,
        out_type=[
            jax.ShapeDtypeStruct((B, 2 * D), jnp.float32),
            jax.ShapeDtypeStruct((B, 2 * D), jnp.float32),
        ],
        mesh=mesh,
        scratch_types=[
            pltpu.VMEM((_NCH, _CH), jnp.int32),
            pltpu.VMEM((_NCH, _CH), jnp.int32),
            pltpu.VMEM((_BPW, 2 * D), jnp.float32),
            pltpu.SemaphoreType.DMA,
        ],
    )
    return f(user_ids, item_ids, uc, ic)


def _mlp_body(gu_ref, gi_ref, mu_ref, mi_ref, w1a_ref, w1b_ref, b1_ref,
              g1_ref, be1_ref, w2_ref, b2_ref, g2_ref, be2_ref,
              w3_ref, b3_ref, out_ref):
    gu = gu_ref[...] * mu_ref[...]
    gi = gi_ref[...] * mi_ref[...]
    ue = gu[:, :D] + gu[:, D:]
    ie = gi[:, :D] + gi[:, D:]
    h = (jnp.dot(ue, w1a_ref[...], preferred_element_type=jnp.float32)
         + jnp.dot(ie, w1b_ref[...], preferred_element_type=jnp.float32)
         + b1_ref[...])
    mean = jnp.mean(h, axis=0, keepdims=True)
    var = jnp.mean(jnp.square(h - mean), axis=0, keepdims=True)
    h = (h - mean) * lax.rsqrt(var + EPS) * g1_ref[...] + be1_ref[...]
    h = jnp.maximum(h, 0.0)
    h = jnp.dot(h, w2_ref[...], preferred_element_type=jnp.float32) + b2_ref[...]
    mean = jnp.mean(h, axis=0, keepdims=True)
    var = jnp.mean(jnp.square(h - mean), axis=0, keepdims=True)
    h = (h - mean) * lax.rsqrt(var + EPS) * g2_ref[...] + be2_ref[...]
    h = jnp.maximum(h, 0.0)
    o = jnp.dot(h, w3_ref[...], preferred_element_type=jnp.float32) + b3_ref[...]
    out_ref[...] = jax.nn.sigmoid(o)


def _tc_mlp(gu, gi, mu, mi, W1, b1, g1, be1, W2, b2, g2, be2, W3, b3):
    return pl.pallas_call(
        _mlp_body,
        out_shape=jax.ShapeDtypeStruct((B, 1), jnp.float32),
    )(gu, gi, mu, mi, W1[:D], W1[D:], b1.reshape(1, -1), g1.reshape(1, -1),
      be1.reshape(1, -1), W2, b2.reshape(1, -1), g2.reshape(1, -1),
      be2.reshape(1, -1), W3, b3.reshape(1, -1))


def _half_mask(ids):
    hi = (ids >= _HALF0)[:, None]
    lane_hi = (jnp.arange(2 * D, dtype=jnp.int32) >= D)[None, :]
    return (hi == lane_hi).astype(jnp.float32)


def kernel(user_ids, item_ids, user_table, item_table,
           W1, b1, g1, be1, W2, b2, g2, be2, W3, b3):
    uids = user_ids.astype(jnp.int32)
    iids = item_ids.astype(jnp.int32)
    cu = _relayout(user_table.T)
    ci = _relayout(item_table.T)
    gu, gi = _sc_gather(uids, iids, cu, ci)
    out = _tc_mlp(gu, gi, _half_mask(uids), _half_mask(iids),
                  W1, b1, g1, be1, W2, b2, g2, be2, W3, b3)
    return jnp.squeeze(out, axis=-1)

# --- scband reference (transcript-rebuilt; emitter-appended) ---
"""Pipeline reference for scband-improved-ncfmodel-31387620999623 (READ-ONLY COPY).

The authoritative reference and input builder live on the scoring server;
editing this copy changes nothing except your own understanding.
"""

import jax, jax.numpy as jnp
import numpy as np

B = 16384
N_USERS = 1000000
N_ITEMS = 1000000
D = 64
H1 = 128
H2 = 64
EPS = 1e-5


def setup_inputs(seed: int = 0) -> dict:
    key = jax.random.key(seed)
    ks = jax.random.split(key, 12)
    user_ids = jax.random.randint(ks[0], (B,), 0, N_USERS, dtype=jnp.int64 if jax.config.jax_enable_x64 else jnp.int32)
    item_ids = jax.random.randint(ks[1], (B,), 0, N_ITEMS, dtype=jnp.int64 if jax.config.jax_enable_x64 else jnp.int32)
    user_table = (jax.random.normal(ks[2], (N_USERS, D), dtype=jnp.float32) * 0.01)
    item_table = (jax.random.normal(ks[3], (N_ITEMS, D), dtype=jnp.float32) * 0.01)
    in_dim = 2 * D
    W1 = jax.random.normal(ks[4], (in_dim, H1), dtype=jnp.float32) * (1.0 / np.sqrt(in_dim))
    b1 = jnp.zeros((H1,), dtype=jnp.float32)
    g1 = jnp.ones((H1,), dtype=jnp.float32)
    be1 = jnp.zeros((H1,), dtype=jnp.float32)
    W2 = jax.random.normal(ks[5], (H1, H2), dtype=jnp.float32) * (1.0 / np.sqrt(H1))
    b2 = jnp.zeros((H2,), dtype=jnp.float32)
    g2 = jnp.ones((H2,), dtype=jnp.float32)
    be2 = jnp.zeros((H2,), dtype=jnp.float32)
    W3 = jax.random.normal(ks[6], (H2, 1), dtype=jnp.float32) * (1.0 / np.sqrt(H2))
    b3 = jnp.zeros((1,), dtype=jnp.float32)
    return {
        "user_ids": user_ids, "item_ids": item_ids,
        "user_table": user_table, "item_table": item_table,
        "W1": W1, "b1": b1, "g1": g1, "be1": be1,
        "W2": W2, "b2": b2, "g2": g2, "be2": be2,
        "W3": W3, "b3": b3,
    }


def _batchnorm(h, gamma, beta):
    mean = jnp.mean(h, axis=0)
    var = jnp.var(h, axis=0)
    return (h - mean) / jnp.sqrt(var + EPS) * gamma + beta


def reference(user_ids, item_ids, user_table, item_table, W1, b1, g1, be1, W2, b2, g2, be2, W3, b3):
    user_emb = jnp.take(user_table, user_ids, axis=0)
    item_emb = jnp.take(item_table, item_ids, axis=0)
    x = jnp.concatenate([user_emb, item_emb], axis=1)
    h = x @ W1 + b1
    h = _batchnorm(h, g1, be1)
    h = jax.nn.relu(h)
    h = h @ W2 + b2
    h = _batchnorm(h, g2, be2)
    h = jax.nn.relu(h)
    out = jax.nn.sigmoid(h @ W3 + b3)
    return jnp.squeeze(out, axis=-1)

if __name__ == "__main__":
    import jax
    _d = setup_inputs()
    print(jax.jit(kernel)(*tuple(_d.values())))

</pallas_src>

<mosaic_0001>
#map = affine_map<(d0, d1) -> (0)>
#map1 = affine_map<(d0, d1) -> (0, 0)>
module attributes {stable_mosaic.version = 14 : i64} {
  func.func @_gather_body(%arg0: i32, %arg1: i32, %arg2: memref<16384xi32, #tpu.memory_space<hbm>>, %arg3: memref<16384xi32, #tpu.memory_space<hbm>>, %arg4: memref<501760x128xf32, #tpu.memory_space<hbm>>, %arg5: memref<501760x128xf32, #tpu.memory_space<hbm>>, %arg6: memref<16384x128xf32, #tpu.memory_space<hbm>>, %arg7: memref<16384x128xf32, #tpu.memory_space<hbm>>, %arg8: memref<4x128xi32, #tpu.memory_space<vmem>>, %arg9: memref<4x128xi32, #tpu.memory_space<vmem>>, %arg10: memref<512x128xf32, #tpu.memory_space<vmem>>, %arg11: memref<!tpu.dma_semaphore, #tpu.memory_space<semaphore_mem>>) attributes {dimension_semantics = [#tpu.dimension_semantics<core_parallel>, #tpu.dimension_semantics<subcore_parallel>], iteration_bounds = array<i64: 2, 16>, scalar_prefetch = 0 : i64, scratch_operands = 4 : i64, tpu.core_type = #tpu.core_type<sc_vector_subcore>, window_params = [{transform_indices = #map}, {transform_indices = #map}, {transform_indices = #map1}, {transform_indices = #map1}, {transform_indices = #map1}, {transform_indices = #map1}]} {
    %mul3A = arith.constant 2 : i32
    %mul3A_0 = arith.muli %arg1, %mul3A : i32
    %add3A = arith.addi %mul3A_0, %arg0 : i32
    %mul3A_1 = arith.constant 512 : i32
    %mul3A_2 = arith.muli %add3A, %mul3A_1 : i32
    %add3A_3 = arith.constant 0 : i32
    %add3A_4 = arith.addi %mul3A_2, %add3A_3 : i32
    %run_scoped3A = arith.constant 0 : i32
    "tpu.region"() ({
      %run_scoped3A_1263 = tpu.sem_alloc : memref<!tpu.dma_semaphore, #tpu.memory_space<semaphore_mem>>
      %dma_start3A_1264 = arith.constant 0 : i32
      %dma_start3A_1265 = tpu.memref_slice %arg8[%run_scoped3A, %dma_start3A_1264] : memref<4x128xi32, #tpu.memory_space<vmem>> -> memref<1x128xi32, #tpu.memory_space<vmem>>
      %dma_start3A_1266 = tpu.memref_squeeze %dma_start3A_1265 : memref<1x128xi32, #tpu.memory_space<vmem>> -> memref<128xi32, #tpu.memory_space<vmem>>
      %dma_start3A_1267 = tpu.memref_slice %arg2[%add3A_4] : memref<16384xi32, #tpu.memory_space<hbm>> -> memref<128xi32, #tpu.memory_space<hbm>>
      %dma_start3A_1268 = arith.constant 0 : i32
      %dma_start3A_1269 = tpu.memref_slice %arg8[%run_scoped3A, %dma_start3A_1268] : memref<4x128xi32, #tpu.memory_space<vmem>> -> memref<1x128xi32, #tpu.memory_space<vmem>>
      %dma_start3A_1270 = tpu.memref_squeeze %dma_start3A_1269 : memref<1x128xi32, #tpu.memory_space<vmem>> -> memref<128xi32, #tpu.memory_space<vmem>>
      %dma_start3A_1271 = tpu.memref_slice %arg2[%add3A_4] : memref<16384xi32, #tpu.memory_space<hbm>> -> memref<128xi32, #tpu.memory_space<hbm>>
      tpu.enqueue_dma source(%dma_start3A_1271 : memref<128xi32, #tpu.memory_space<hbm>>) target(%dma_start3A_1270 : memref<128xi32, #tpu.memory_space<vmem>>) target_semaphore(%run_scoped3A_1263 : memref<!tpu.dma_semaphore, #tpu.memory_space<semaphore_mem>>)
      %dma_wait3A_1272 = arith.constant 0 : i32
      %dma_wait3A_1273 = tpu.memref_slice %arg8[%run_scoped3A, %dma_wait3A_1272] : memref<4x128xi32, #tpu.memory_space<vmem>> -> memref<1x128xi32, #tpu.memory_space<vmem>>
      %dma_wait3A_1274 = tpu.memref_squeeze %dma_wait3A_1273 : memref<1x128xi32, #tpu.memory_space<vmem>> -> memref<128xi32, #tpu.memory_space<vmem>>
      %dma_wait3A_1275 = tpu.memref_slice %arg2[%add3A_4] : memref<16384xi32, #tpu.memory_space<hbm>> -> memref<128xi32, #tpu.memory_space<hbm>>
      %dma_wait3A_1276 = arith.constant 0 : i32
      %dma_wait3A_1277 = tpu.memref_slice %arg8[%run_scoped3A, %dma_wait3A_1276] : memref<4x128xi32, #tpu.memory_space<vmem>> -> memref<1x128xi32, #tpu.memory_space<vmem>>
      %dma_wait3A_1278 = tpu.memref_squeeze %dma_wait3A_1277 : memref<1x128xi32, #tpu.memory_space<vmem>> -> memref<128xi32, #tpu.memory_space<vmem>>
      %dma_wait3A_1279 = tpu.memref_slice %arg2[%add3A_4] : memref<16384xi32, #tpu.memory_space<hbm>> -> memref<128xi32, #tpu.memory_space<hbm>>
      tpu.wait_dma2 semaphore(%run_scoped3A_1263 : memref<!tpu.dma_semaphore, #tpu.memory_space<semaphore_mem>>) src(%dma_wait3A_1279 : memref<128xi32, #tpu.memory_space<hbm>>) dst(%dma_wait3A_1278 : memref<128xi32, #tpu.memory_space<vmem>>)
      tpu.yield
    }) : () -> ()
    %add3A_5 = arith.constant 128 : i32
    %add3A_6 = arith.addi %mul3A_2, %add3A_5 : i32
    %run_scoped3A_7 = arith.constant 1 : i32
    "tpu.region"() ({
      %run_scoped3A_1263 = tpu.sem_alloc : memref<!tpu.dma_semaphore, #tpu.memory_space<semaphore_mem>>
      %dma_start3A_1264 = arith.constant 0 : i32
      %dma_start3A_1265 = tpu.memref_slice %arg8[%run_scoped3A_7, %dma_start3A_1264] : memref<4x128xi32, #tpu.memory_space<vmem>> -> memref<1x128xi32, #tpu.memory_space<vmem>>
      %dma_start3A_1266 = tpu.memref_squeeze %dma_start3A_1265 : memref<1x128xi32, #tpu.memory_space<vmem>> -> memref<128xi32, #tpu.memory_space<vmem>>
      %dma_start3A_1267 = tpu.memref_slice %arg2[%add3A_6] : memref<16384xi32, #tpu.memory_space<hbm>> -> memref<128xi32, #tpu.memory_space<hbm>>
      %dma_start3A_1268 = arith.constant 0 : i32
      %dma_start3A_1269 = tpu.memref_slice %arg8[%run_scoped3A_7, %dma_start3A_1268] : memref<4x128xi32, #tpu.memory_space<vmem>> -> memref<1x128xi32, #tpu.memory_space<vmem>>
      %dma_start3A_1270 = tpu.memref_squeeze %dma_start3A_1269 : memref<1x128xi32, #tpu.memory_space<vmem>> -> memref<128xi32, #tpu.memory_space<vmem>>
      %dma_start3A_1271 = tpu.memref_slice %arg2[%add3A_6] : memref<16384xi32, #tpu.memory_space<hbm>> -> memref<128xi32, #tpu.memory_space<hbm>>
      tpu.enqueue_dma source(%dma_start3A_1271 : memref<128xi32, #tpu.memory_space<hbm>>) target(%dma_start3A_1270 : memref<128xi32, #tpu.memory_space<vmem>>) target_semaphore(%run_scoped3A_1263 : memref<!tpu.dma_semaphore, #tpu.memory_space<semaphore_mem>>)
      %dma_wait3A_1272 = arith.constant 0 : i32
      %dma_wait3A_1273 = tpu.memref_slice %arg8[%run_scoped3A_7, %dma_wait3A_1272] : memref<4x128xi32, #tpu.memory_space<vmem>> -> memref<1x128xi32, #tpu.memory_space<vmem>>
      %dma_wait3A_1274 = tpu.memref_squeeze %dma_wait3A_1273 : memref<1x128xi32, #tpu.memory_space<vmem>> -> memref<128xi32, #tpu.memory_space<vmem>>
      %dma_wait3A_1275 = tpu.memref_slice %arg2[%add3A_6] : memref<16384xi32, #tpu.memory_space<hbm>> -> memref<128xi32, #tpu.memory_space<hbm>>
      %dma_wait3A_1276 = arith.constant 0 : i32
      %dma_wait3A_1277 = tpu.memref_slice %arg8[%run_scoped3A_7, %dma_wait3A_1276] : memref<4x128xi32, #tpu.memory_space<vmem>> -> memref<1x128xi32, #tpu.memory_space<vmem>>
      %dma_wait3A_1278 = tpu.memref_squeeze %dma_wait3A_1277 : memref<1x128xi32, #tpu.memory_space<vmem>> -> memref<128xi32, #tpu.memory_space<vmem>>
      %dma_wait3A_1279 = tpu.memref_slice %arg2[%add3A_6] : memref<16384xi32, #tpu.memory_space<hbm>> -> memref<128xi32, #tpu.memory_space<hbm>>
      tpu.wait_dma2 semaphore(%run_scoped3A_1263 : memref<!tpu.dma_semaphore, #tpu.memory_space<semaphore_mem>>) src(%dma_wait3A_1279 : memref<128xi32, #tpu.memory_space<hbm>>) dst(%dma_wait3A_1278 : memref<128xi32, #tpu.memory_space<vmem>>)
      tpu.yield
    }) : () -> ()
    %add3A_8 = arith.constant 256 : i32
    %add3A_9 = arith.addi %mul3A_2, %add3A_8 : i32
    %run_scoped3A_10 = arith.constant 2 : i32
    "tpu.region"() ({
      %run_scoped3A_1263 = tpu.sem_alloc : memref<!tpu.dma_semaphore, #tpu.memory_space<semaphore_mem>>
      %dma_start3A_1264 = arith.constant 0 : i32
      %dma_start3A_1265 = tpu.memref_slice %arg8[%run_scoped3A_10, %dma_start3A_1264] : memref<4x128xi32, #tpu.memory_space<vmem>> -> memref<1x128xi32, #tpu.memory_space<vmem>>
      %dma_start3A_1266 = tpu.memref_squeeze %dma_start3A_1265 : memref<1x128xi32, #tpu.memory_space<vmem>> -> memref<128xi32, #tpu.memory_space<vmem>>
      %dma_start3A_1267 = tpu.memref_slice %arg2[%add3A_9] : memref<16384xi32, #tpu.memory_space<hbm>> -> memref<128xi32, #tpu.memory_space<hbm>>
      %dma_start3A_1268 = arith.constant 0 : i32
      %dma_start3A_1269 = tpu.memref_slice %arg8[%run_scoped3A_10, %dma_start3A_1268] : memref<4x128xi32, #tpu.memory_space<vmem>> -> memref<1x128xi32, #tpu.memory_space<vmem>>
      %dma_start3A_1270 = tpu.memref_squeeze %dma_start3A_1269 : memref<1x128xi32, #tpu.memory_space<vmem>> -> memref<128xi32, #tpu.memory_space<vmem>>
      %dma_start3A_1271 = tpu.memref_slice %arg2[%add3A_9] : memref<16384xi32, #tpu.memory_space<hbm>> -> memref<128xi32, #tpu.memory_space<hbm>>
      tpu.enqueue_dma source(%dma_start3A_1271 : memref<128xi32, #tpu.memory_space<hbm>>) target(%dma_start3A_1270 : memref<128xi32, #tpu.memory_space<vmem>>) target_semaphore(%run_scoped3A_1263 : memref<!tpu.dma_semaphore, #tpu.memory_space<semaphore_mem>>)
      %dma_wait3A_1272 = arith.constant 0 : i32
      %dma_wait3A_1273 = tpu.memref_slice %arg8[%run_scoped3A_10, %dma_wait3A_1272] : memref<4x128xi32, #tpu.memory_space<vmem>> -> memref<1x128xi32, #tpu.memory_space<vmem>>
      %dma_wait3A_1274 = tpu.memref_squeeze %dma_wait3A_1273 : memref<1x128xi32, #tpu.memory_space<vmem>> -> memref<128xi32, #tpu.memory_space<vmem>>
      %dma_wait3A_1275 = tpu.memref_slice %arg2[%add3A_9] : memref<16384xi32, #tpu.memory_space<hbm>> -> memref<128xi32, #tpu.memory_space<hbm>>
      %dma_wait3A_1276 = arith.constant 0 : i32
      %dma_wait3A_1277 = tpu.memref_slice %arg8[%run_scoped3A_10, %dma_wait3A_1276] : memref<4x128xi32, #tpu.memory_space<vmem>> -> memref<1x128xi32, #tpu.memory_space<vmem>>
      %dma_wait3A_1278 = tpu.memref_squeeze %dma_wait3A_1277 : memref<1x128xi32, #tpu.memory_space<vmem>> -> memref<128xi32, #tpu.memory_space<vmem>>
      %dma_wait3A_1279 = tpu.memref_slice %arg2[%add3A_9] : memref<16384xi32, #tpu.memory_space<hbm>> -> memref<128xi32, #tpu.memory_space<hbm>>
      tpu.wait_dma2 semaphore(%run_scoped3A_1263 : memref<!tpu.dma_semaphore, #tpu.memory_space<semaphore_mem>>) src(%dma_wait3A_1279 : memref<128xi32, #tpu.memory_space<hbm>>) dst(%dma_wait3A_1278 : memref<128xi32, #tpu.memory_space<vmem>>)
      tpu.yield
    }) : () -> ()
    %add3A_11 = arith.constant 384 : i32
    %add3A_12 = arith.addi %mul3A_2, %add3A_11 : i32
    %run_scoped3A_13 = arith.constant 3 : i32
    "tpu.region"() ({
      %run_scoped3A_1263 = tpu.sem_alloc : memref<!tpu.dma_semaphore, #tpu.memory_space<semaphore_mem>>
      %dma_start3A_1264 = arith.constant 0 : i32
      %dma_start3A_1265 = tpu.memref_slice %arg8[%run_scoped3A_13, %dma_start3A_1264] : memref<4x128xi32, #tpu.memory_space<vmem>> -> memref<1x128xi32, #tpu.memory_space<vmem>>
      %dma_start3A_1266 = tpu.memref_squeeze %dma_start3A_1265 : memref<1x128xi32, #tpu.memory_space<vmem>> -> memref<128xi32, #tpu.memory_space<vmem>>
      %dma_start3A_1267 = tpu.memref_slice %arg2[%add3A_12] : memref<16384xi32, #tpu.memory_space<hbm>> -> memref<128xi32, #tpu.memory_space<hbm>>
      %dma_start3A_1268 = arith.constant 0 : i32
      %dma_start3A_1269 = tpu.memref_slice %arg8[%run_scoped3A_13, %dma_start3A_1268] : memref<4x128xi32, #tpu.memory_space<vmem>> -> memref<1x128xi32, #tpu.memory_space<vmem>>
      %dma_start3A_1270 = tpu.memref_squeeze %dma_start3A_1269 : memref<1x128xi32, #tpu.memory_space<vmem>> -> memref<128xi32, #tpu.memory_space<vmem>>
      %dma_start3A_1271 = tpu.memref_slice %arg2[%add3A_12] : memref<16384xi32, #tpu.memory_space<hbm>> -> memref<128xi32, #tpu.memory_space<hbm>>
      tpu.enqueue_dma source(%dma_start3A_1271 : memref<128xi32, #tpu.memory_space<hbm>>) target(%dma_start3A_1270 : memref<128xi32, #tpu.memory_space<vmem>>) target_semaphore(%run_scoped3A_1263 : memref<!tpu.dma_semaphore, #tpu.memory_space<semaphore_mem>>)
      %dma_wait3A_1272 = arith.constant 0 : i32
      %dma_wait3A_1273 = tpu.memref_slice %arg8[%run_scoped3A_13, %dma_wait3A_1272] : memref<4x128xi32, #tpu.memory_space<vmem>> -> memref<1x128xi32, #tpu.memory_space<vmem>>
      %dma_wait3A_1274 = tpu.memref_squeeze %dma_wait3A_1273 : memref<1x128xi32, #tpu.memory_space<vmem>> -> memref<128xi32, #tpu.memory_space<vmem>>
      %dma_wait3A_1275 = tpu.memref_slice %arg2[%add3A_12] : memref<16384xi32, #tpu.memory_space<hbm>> -> memref<128xi32, #tpu.memory_space<hbm>>
      %dma_wait3A_1276 = arith.constant 0 : i32
      %dma_wait3A_1277 = tpu.memref_slice %arg8[%run_scoped3A_13, %dma_wait3A_1276] : memref<4x128xi32, #tpu.memory_space<vmem>> -> memref<1x128xi32, #tpu.memory_space<vmem>>
      %dma_wait3A_1278 = tpu.memref_squeeze %dma_wait3A_1277 : memref<1x128xi32, #tpu.memory_space<vmem>> -> memref<128xi32, #tpu.memory_space<vmem>>
      %dma_wait3A_1279 = tpu.memref_slice %arg2[%add3A_12] : memref<16384xi32, #tpu.memory_space<hbm>> -> memref<128xi32, #tpu.memory_space<hbm>>
      tpu.wait_dma2 semaphore(%run_scoped3A_1263 : memref<!tpu.dma_semaphore, #tpu.memory_space<semaphore_mem>>) src(%dma_wait3A_1279 : memref<128xi32, #tpu.memory_space<hbm>>) dst(%dma_wait3A_1278 : memref<128xi32, #tpu.memory_space<vmem>>)
      tpu.yield
    }) : () -> ()
    %get3A = arith.constant 0 : i32
    %get3A_14 = arith.index_cast %get3A : i32 to index
    %get3A_15 = arith.constant 0 : index
    %get3A_16 = tpu.vector_load %arg8[%get3A_14, %get3A_15] {strides = array<i32>} : memref<4x128xi32, #tpu.memory_space<vmem>>, vector<1x16xi32>,
    %get3A_17 = vector.shape_cast %get3A_16 : vector<1x16xi32> to vector<16xi32>
    %lt3A = arith.constant 501760 : i32
    %lt3A_18 = vector.broadcast %lt3A : i32 to vector<16xi32>
    %lt3A_19 = arith.cmpi slt, %get3A_17, %lt3A_18 : vector<16xi32>
    %sub3A = arith.constant 501760 : i32
    %sub3A_20 = vector.broadcast %sub3A : i32 to vector<16xi32>
    %sub3A_21 = arith.subi %get3A_17, %sub3A_20 : vector<16xi32>
    %select_n3A = arith.select %lt3A_19, %get3A_17, %sub3A_21 : vector<16xi1>, vector<16xi32>
    %swap3A = arith.constant 0 : i32
    %swap3A_22 = arith.index_cast %swap3A : i32 to index
    %swap3A_23 = arith.constant 0 : index
    %swap3A_24 = tpu.vector_load %arg9[%swap3A_22, %swap3A_23] {strides = array<i32>} : memref<4x128xi32, #tpu.memory_space<vmem>>, vector<1x16xi32>,
    %swap3A_25 = vector.shape_cast %swap3A_24 : vector<1x16xi32> to vector<16xi32>
    %swap3A_26 = vector.shape_cast %select_n3A : vector<16xi32> to vector<1x16xi32>
    tpu.vector_store %arg9[%swap3A_22, %swap3A_23], %swap3A_26 {strides = array<i32>} : memref<4x128xi32, #tpu.memory_space<vmem>>, vector<1x16xi32>,
    %get3A_27 = arith.constant 0 : i32
    %get3A_28 = arith.index_cast %get3A_27 : i32 to index
    %get3A_29 = arith.constant 16 : index
    %get3A_30 = tpu.vector_load %arg8[%get3A_28, %get3A_29] {strides = array<i32>} : memref<4x128xi32, #tpu.memory_space<vmem>>, vector<1x16xi32>,
    %get3A_31 = vector.shape_cast %get3A_30 : vector<1x16xi32> to vector<16xi32>
    %lt3A_32 = arith.constant 501760 : i32
    %lt3A_33 = vector.broadcast %lt3A_32 : i32 to vector<16xi32>
    %lt3A_34 = arith.cmpi slt, %get3A_31, %lt3A_33 : vector<16xi32>
    %sub3A_35 = arith.constant 501760 : i32
    %sub3A_36 = vector.broadcast %sub3A_35 : i32 to vector<16xi32>
    %sub3A_37 = arith.subi %get3A_31, %sub3A_36 : vector<16xi32>
    %select_n3A_38 = arith.select %lt3A_34, %get3A_31, %sub3A_37 : vector<16xi1>, vector<16xi32>
    %swap3A_39 = arith.constant 0 : i32
    %swap3A_40 = arith.index_cast %swap3A_39 : i32 to index
    %swap3A_41 = arith.constant 16 : index
    %swap3A_42 = tpu.vector_load %arg9[%swap3A_40, %swap3A_41] {strides = array<i32>} : memref<4x128xi32, #tpu.memory_space<vmem>>, vector<1x16xi32>,
    %swap3A_43 = vector.shape_cast %swap3A_42 : vector<1x16xi32> to vector<16xi32>
    %swap3A_44 = vector.shape_cast %select_n3A_38 : vector<16xi32> to vector<1x16xi32>
    tpu.vector_store %arg9[%swap3A_40, %swap3A_41], %swap3A_44 {strides = array<i32>} : memref<4x128xi32, #tpu.memory_space<vmem>>, vector<1x16xi32>,
    %get3A_45 = arith.constant 0 : i32
    %get3A_46 = arith.index_cast %get3A_45 : i32 to index
    %get3A_47 = arith.constant 32 : index
    %get3A_48 = tpu.vector_load %arg8[%get3A_46, %get3A_47] {strides = array<i32>} : memref<4x128xi32, #tpu.memory_space<vmem>>, vector<1x16xi32>,
    %get3A_49 = vector.shape_cast %get3A_48 : vector<1x16xi32> to vector<16xi32>
    %lt3A_50 = arith.constant 501760 : i32
    %lt3A_51 = vector.broadcast %lt3A_50 : i32 to vector<16xi32>
    %lt3A_52 = arith.cmpi slt, %get3A_49, %lt3A_51 : vector<16xi32>
    %sub3A_53 = arith.constant 501760 : i32
    %sub3A_54 = vector.broadcast %sub3A_53 : i32 to vector<16xi32>
    %sub3A_55 = arith.subi %get3A_49, %sub3A_54 : vector<16xi32>
    %select_n3A_56 = arith.select %lt3A_52, %get3A_49, %sub3A_55 : vector<16xi1>, vector<16xi32>
    %swap3A_57 = arith.constant 0 : i32
    %swap3A_58 = arith.index_cast %swap3A_57 : i32 to index
    %swap3A_59 = arith.constant 32 : index
    %swap3A_60 = tpu.vector_load %arg9[%swap3A_58, %swap3A_59] {strides = array<i32>} : memref<4x128xi32, #tpu.memory_space<vmem>>, vector<1x16xi32>,
    %swap3A_61 = vector.shape_cast %swap3A_60 : vector<1x16xi32> to vector<16xi32>
    %swap3A_62 = vector.shape_cast %select_n3A_56 : vector<16xi32> to vector<1x16xi32>
    tpu.vector_store %arg9[%swap3A_58, %swap3A_59], %swap3A_62 {strides = array<i32>} : memref<4x128xi32, #tpu.memory_space<vmem>>, vector<1x16xi32>,
    %get3A_63 = arith.constant 0 : i32
    %get3A_64 = arith.index_cast %get3A_63 : i32 to index
    %get3A_65 = arith.constant 48 : index
    %get3A_66 = tpu.vector_load %arg8[%get3A_64, %get3A_65] {strides = array<i32>} : memref<4x128xi32, #tpu.memory_space<vmem>>, vector<1x16xi32>,
    %get3A_67 = vector.shape_cast %get3A_66 : vector<1x16xi32> to vector<16xi32>
    %lt3A_68 = arith.constant 501760 : i32
    %lt3A_69 = vector.broadcast %lt3A_68 : i32 to vector<16xi32>
    %lt3A_70 = arith.cmpi slt, %get3A_67, %lt3A_69 : vector<16xi32>
    %sub3A_71 = arith.constant 501760 : i32
    %sub3A_72 = vector.broadcast %sub3A_71 : i32 to vector<16xi32>
    %sub3A_73 = arith.subi %get3A_67, %sub3A_72 : vector<16xi32>
    %select_n3A_74 = arith.select %lt3A_70, %get3A_67, %sub3A_73 : vector<16xi1>, vector<16xi32>
    %swap3A_75 = arith.constant 0 : i32
    %swap3A_76 = arith.index_cast %swap3A_75 : i32 to index
    %swap3A_77 = arith.constant 48 : index
    %swap3A_78 = tpu.vector_load %arg9[%swap3A_76, %swap3A_77] {strides = array<i32>} : memref<4x128xi32, #tpu.memory_space<vmem>>, vector<1x16xi32>,
    %swap3A_79 = vector.shape_cast %swap3A_78 : vector<1x16xi32> to vector<16xi32>
    %swap3A_80 = vector.shape_cast %select_n3A_74 : vector<16xi32> to vector<1x16xi32>
    tpu.vector_store %arg9[%swap3A_76, %swap3A_77], %swap3A_80 {strides = array<i32>} : memref<4x128xi32, #tpu.memory_space<vmem>>, vector<1x16xi32>,
    %get3A_81 = arith.constant 0 : i32
    %get3A_82 = arith.index_cast %get3A_81 : i32 to index
    %get3A_83 = arith.constant 64 : index
    %get3A_84 = tpu.vector_load %arg8[%get3A_82, %get3A_83] {strides = array<i32>} : memref<4x128xi32, #tpu.memory_space<vmem>>, vector<1x16xi32>,
    %get3A_85 = vector.shape_cast %get3A_84 : vector<1x16xi32> to vector<16xi32>
    %lt3A_86 = arith.constant 501760 : i32
    %lt3A_87 = vector.broadcast %lt3A_86 : i32 to vector<16xi32>
    %lt3A_88 = arith.cmpi slt, %get3A_85, %lt3A_87 : vector<16xi32>
    %sub3A_89 = arith.constant 501760 : i32
    %sub3A_90 = vector.broadcast %sub3A_89 : i32 to vector<16xi32>
    %sub3A_91 = arith.subi %get3A_85, %sub3A_90 : vector<16xi32>
    %select_n3A_92 = arith.select %lt3A_88, %get3A_85, %sub3A_91 : vector<16xi1>, vector<16xi32>
    %swap3A_93 = arith.constant 0 : i32
    %swap3A_94 = arith.index_cast %swap3A_93 : i32 to index
    %swap3A_95 = arith.constant 64 : index
    %swap3A_96 = tpu.vector_load %arg9[%swap3A_94, %swap3A_95] {strides = array<i32>} : memref<4x128xi32, #tpu.memory_space<vmem>>, vector<1x16xi32>,
    %swap3A_97 = vector.shape_cast %swap3A_96 : vector<1x16xi32> to vector<16xi32>
    %swap3A_98 = vector.shape_cast %select_n3A_92 : vector<16xi32> to vector<1x16xi32>
    tpu.vector_store %arg9[%swap3A_94, %swap3A_95], %swap3A_98 {strides = array<i32>} : memref<4x128xi32, #tpu.memory_space<vmem>>, vector<1x16xi32>,
    %get3A_99 = arith.constant 0 : i32
    %get3A_100 = arith.index_cast %get3A_99 : i32 to index
    %get3A_101 = arith.constant 80 : index
    %get3A_102 = tpu.vector_load %arg8[%get3A_100, %get3A_101] {strides = array<i32>} : memref<4x128xi32, #tpu.memory_space<vmem>>, vector<1x16xi32>,
    %get3A_103 = vector.shape_cast %get3A_102 : vector<1x16xi32> to vector<16xi32>
    %lt3A_104 = arith.constant 501760 : i32
    %lt3A_105 = vector.broadcast %lt3A_104 : i32 to vector<16xi32>
    %lt3A_106 = arith.cmpi slt, %get3A_103, %lt3A_105 : vector<16xi32>
    %sub3A_107 = arith.constant 501760 : i32
    %sub3A_108 = vector.broadcast %sub3A_107 : i32 to vector<16xi32>
    %sub3A_109 = arith.subi %get3A_103, %sub3A_108 : vector<16xi32>
    %select_n3A_110 = arith.select %lt3A_106, %get3A_103, %sub3A_109 : vector<16xi1>, vector<16xi32>
    %swap3A_111 = arith.constant 0 : i32
    %swap3A_112 = arith.index_cast %swap3A_111 : i32 to index
    %swap3A_113 = arith.constant 80 : index
    %swap3A_114 = tpu.vector_load %arg9[%swap3A_112, %swap3A_113] {strides = array<i32>} : memref<4x128xi32, #tpu.memory_space<vmem>>, vector<1x16xi32>,
    %swap3A_115 = vector.shape_cast %swap3A_114 : vector<1x16xi32> to vector<16xi32>
    %swap3A_116 = vector.shape_cast %select_n3A_110 : vector<16xi32> to vector<1x16xi32>
    tpu.vector_store %arg9[%swap3A_112, %swap3A_113], %swap3A_116 {strides = array<i32>} : memref<4x128xi32, #tpu.memory_space<vmem>>, vector<1x16xi32>,
    %get3A_117 = arith.constant 0 : i32
    %get3A_118 = arith.index_cast %get3A_117 : i32 to index
    %get3A_119 = arith.constant 96 : index
    %get3A_120 = tpu.vector_load %arg8[%get3A_118, %get3A_119] {strides = array<i32>} : memref<4x128xi32, #tpu.memory_space<vmem>>, vector<1x16xi32>,
    %get3A_121 = vector.shape_cast %get3A_120 : vector<1x16xi32> to vector<16xi32>
    %lt3A_122 = arith.constant 501760 : i32
    %lt3A_123 = vector.broadcast %lt3A_122 : i32 to vector<16xi32>
    %lt3A_124 = arith.cmpi slt, %get3A_121, %lt3A_123 : vector<16xi32>
    %sub3A_125 = arith.constant 501760 : i32
    %sub3A_126 = vector.broadcast %sub3A_125 : i32 to vector<16xi32>
    %sub3A_127 = arith.subi %get3A_121, %sub3A_126 : vector<16xi32>
    %select_n3A_128 = arith.select %lt3A_124, %get3A_121, %sub3A_127 : vector<16xi1>, vector<16xi32>
    %swap3A_129 = arith.constant 0 : i32
    %swap3A_130 = arith.index_cast %swap3A_129 : i32 to index
    %swap3A_131 = arith.constant 96 : index
    %swap3A_132 = tpu.vector_load %arg9[%swap3A_130, %swap3A_131] {strides = array<i32>} : memref<4x128xi32, #tpu.memory_space<vmem>>, vector<1x16xi32>,
    %swap3A_133 = vector.shape_cast %swap3A_132 : vector<1x16xi32> to vector<16xi32>
    %swap3A_134 = vector.shape_cast %select_n3A_128 : vector<16xi32> to vector<1x16xi32>
    tpu.vector_store %arg9[%swap3A_130, %swap3A_131], %swap3A_134 {strides = array<i32>} : memref<4x128xi32, #tpu.memory_space<vmem>>, vector<1x16xi32>,
    %get3A_135 = arith.constant 0 : i32
    %get3A_136 = arith.index_cast %get3A_135 : i32 to index
    %get3A_137 = arith.constant 112 : index
    %get3A_138 = tpu.vector_load %arg8[%get3A_136, %get3A_137] {strides = array<i32>} : memref<4x128xi32, #tpu.memory_space<vmem>>, vector<1x16xi32>,
    %get3A_139 = vector.shape_cast %get3A_138 : vector<1x16xi32> to vector<16xi32>
    %lt3A_140 = arith.constant 501760 : i32
    %lt3A_141 = vector.broadcast %lt3A_140 : i32 to vector<16xi32>
    %lt3A_142 = arith.cmpi slt, %get3A_139, %lt3A_141 : vector<16xi32>
    %sub3A_143 = arith.constant 501760 : i32
    %sub3A_144 = vector.broadcast %sub3A_143 : i32 to vector<16xi32>
    %sub3A_145 = arith.subi %get3A_139, %sub3A_144 : vector<16xi32>
    %select_n3A_146 = arith.select %lt3A_142, %get3A_139, %sub3A_145 : vector<16xi1>, vector<16xi32>
    %swap3A_147 = arith.constant 0 : i32
    %swap3A_148 = arith.index_cast %swap3A_147 : i32 to index
    %swap3A_149 = arith.constant 112 : index
    %swap3A_150 = tpu.vector_load %arg9[%swap3A_148, %swap3A_149] {strides = array<i32>} : memref<4x128xi32, #tpu.memory_space<vmem>>, vector<1x16xi32>,
    %swap3A_151 = vector.shape_cast %swap3A_150 : vector<1x16xi32> to vector<16xi32>
    %swap3A_152 = vector.shape_cast %select_n3A_146 : vector<16xi32> to vector<1x16xi32>
    tpu.vector_store %arg9[%swap3A_148, %swap3A_149], %swap3A_152 {strides = array<i32>} : memref<4x128xi32, #tpu.memory_space<vmem>>, vector<1x16xi32>,
    %get3A_153 = arith.constant 1 : i32
    %get3A_154 = arith.index_cast %get3A_153 : i32 to index
    %get3A_155 = arith.constant 0 : index
    %get3A_156 = tpu.vector_load %arg8[%get3A_154, %get3A_155] {strides = array<i32>} : memref<4x128xi32, #tpu.memory_space<vmem>>, vector<1x16xi32>,
    %get3A_157 = vector.shape_cast %get3A_156 : vector<1x16xi32> to vector<16xi32>
    %lt3A_158 = arith.constant 501760 : i32
    %lt3A_159 = vector.broadcast %lt3A_158 : i32 to vector<16xi32>
    %lt3A_160 = arith.cmpi slt, %get3A_157, %lt3A_159 : vector<16xi32>
    %sub3A_161 = arith.constant 501760 : i32
    %sub3A_162 = vector.broadcast %sub3A_161 : i32 to vector<16xi32>
    %sub3A_163 = arith.subi %get3A_157, %sub3A_162 : vector<16xi32>
    %select_n3A_164 = arith.select %lt3A_160, %get3A_157, %sub3A_163 : vector<16xi1>, vector<16xi32>
    %swap3A_165 = arith.constant 1 : i32
    %swap3A_166 = arith.index_cast %swap3A_165 : i32 to index
    %swap3A_167 = arith.constant 0 : index
    %swap3A_168 = tpu.vector_load %arg9[%swap3A_166, %swap3A_167] {strides = array<i32>} : memref<4x128xi32, #tpu.memory_space<vmem>>, vector<1x16xi32>,
    %swap3A_169 = vector.shape_cast %swap3A_168 : vector<1x16xi32> to vector<16xi32>
    %swap3A_170 = vector.shape_cast %select_n3A_164 : vector<16xi32> to vector<1x16xi32>
    tpu.vector_store %arg9[%swap3A_166, %swap3A_167], %swap3A_170 {strides = array<i32>} : memref<4x128xi32, #tpu.memory_space<vmem>>, vector<1x16xi32>,
    %get3A_171 = arith.constant 1 : i32
    %get3A_172 = arith.index_cast %get3A_171 : i32 to index
    %get3A_173 = arith.constant 16 : index
    %get3A_174 = tpu.vector_load %arg8[%get3A_172, %get3A_173] {strides = array<i32>} : memref<4x128xi32, #tpu.memory_space<vmem>>, vector<1x16xi32>,
    %get3A_175 = vector.shape_cast %get3A_174 : vector<1x16xi32> to vector<16xi32>
    %lt3A_176 = arith.constant 501760 : i32
    %lt3A_177 = vector.broadcast %lt3A_176 : i32 to vector<16xi32>
    %lt3A_178 = arith.cmpi slt, %get3A_175, %lt3A_177 : vector<16xi32>
    %sub3A_179 = arith.constant 501760 : i32
    %sub3A_180 = vector.broadcast %sub3A_179 : i32 to vector<16xi32>
    %sub3A_181 = arith.subi %get3A_175, %sub3A_180 : vector<16xi32>
    %select_n3A_182 = arith.select %lt3A_178, %get3A_175, %sub3A_181 : vector<16xi1>, vector<16xi32>
    %swap3A_183 = arith.constant 1 : i32
    %swap3A_184 = arith.index_cast %swap3A_183 : i32 to index
    %swap3A_185 = arith.constant 16 : index
    %swap3A_186 = tpu.vector_load %arg9[%swap3A_184, %swap3A_185] {strides = array<i32>} : memref<4x128xi32, #tpu.memory_space<vmem>>, vector<1x16xi32>,
    %swap3A_187 = vector.shape_cast %swap3A_186 : vector<1x16xi32> to vector<16xi32>
    %swap3A_188 = vector.shape_cast %select_n3A_182 : vector<16xi32> to vector<1x16xi32>
    tpu.vector_store %arg9[%swap3A_184, %swap3A_185], %swap3A_188 {strides = array<i32>} : memref<4x128xi32, #tpu.memory_space<vmem>>, vector<1x16xi32>,
    %get3A_189 = arith.constant 1 : i32
    %get3A_190 = arith.index_cast %get3A_189 : i32 to index
    %get3A_191 = arith.constant 32 : index
    %get3A_192 = tpu.vector_load %arg8[%get3A_190, %get3A_191] {strides = array<i32>} : memref<4x128xi32, #tpu.memory_space<vmem>>, vector<1x16xi32>,
    %get3A_193 = vector.shape_cast %get3A_192 : vector<1x16xi32> to vector<16xi32>
    %lt3A_194 = arith.constant 501760 : i32
    %lt3A_195 = vector.broadcast %lt3A_194 : i32 to vector<16xi32>
    %lt3A_196 = arith.cmpi slt, %get3A_193, %lt3A_195 : vector<16xi32>
    %sub3A_197 = arith.constant 501760 : i32
    %sub3A_198 = vector.broadcast %sub3A_197 : i32 to vector<16xi32>
    %sub3A_199 = arith.subi %get3A_193, %sub3A_198 : vector<16xi32>
    %select_n3A_200 = arith.select %lt3A_196, %get3A_193, %sub3A_199 : vector<16xi1>, vector<16xi32>
    %swap3A_201 = arith.constant 1 : i32
    %swap3A_202 = arith.index_cast %swap3A_201 : i32 to index
    %swap3A_203 = arith.constant 32 : index
    %swap3A_204 = tpu.vector_load %arg9[%swap3A_202, %swap3A_203] {strides = array<i32>} : memref<4x128xi32, #tpu.memory_space<vmem>>, vector<1x16xi32>,
    %swap3A_205 = vector.shape_cast %swap3A_204 : vector<1x16xi32> to vector<16xi32>
    %swap3A_206 = vector.shape_cast %select_n3A_200 : vector<16xi32> to vector<1x16xi32>
    tpu.vector_store %arg9[%swap3A_202, %swap3A_203], %swap3A_206 {strides = array<i32>} : memref<4x128xi32, #tpu.memory_space<vmem>>, vector<1x16xi32>,
    %get3A_207 = arith.constant 1 : i32
    %get3A_208 = arith.index_cast %get3A_207 : i32 to index
    %get3A_209 = arith.constant 48 : index
    %get3A_210 = tpu.vector_load %arg8[%get3A_208, %get3A_209] {strides = array<i32>} : memref<4x128xi32, #tpu.memory_space<vmem>>, vector<1x16xi32>,
    %get3A_211 = vector.shape_cast %get3A_210 : vector<1x16xi32> to vector<16xi32>
    %lt3A_212 = arith.constant 501760 : i32
    %lt3A_213 = vector.broadcast %lt3A_212 : i32 to vector<16xi32>
    %lt3A_214 = arith.cmpi slt, %get3A_211, %lt3A_213 : vector<16xi32>
    %sub3A_215 = arith.constant 501760 : i32
    %sub3A_216 = vector.broadcast %sub3A_215 : i32 to vector<16xi32>
    %sub3A_217 = arith.subi %get3A_211, %sub3A_216 : vector<16xi32>
    %select_n3A_218 = arith.select %lt3A_214, %get3A_211, %sub3A_217 : vector<16xi1>, vector<16xi32>
    %swap3A_219 = arith.constant 1 : i32
    %swap3A_220 = arith.index_cast %swap3A_219 : i32 to index
    %swap3A_221 = arith.constant 48 : index
    %swap3A_222 = tpu.vector_load %arg9[%swap3A_220, %swap3A_221] {strides = array<i32>} : memref<4x128xi32, #tpu.memory_space<vmem>>, vector<1x16xi32>,
    %swap3A_223 = vector.shape_cast %swap3A_222 : vector<1x16xi32> to vector<16xi32>
    %swap3A_224 = vector.shape_cast %select_n3A_218 : vector<16xi32> to vector<1x16xi32>
    tpu.vector_store %arg9[%swap3A_220, %swap3A_221], %swap3A_224 {strides = array<i32>} : memref<4x128xi32, #tpu.memory_space<vmem>>, vector<1x16xi32>,
    %get3A_225 = arith.constant 1 : i32
    %get3A_226 = arith.index_cast %get3A_225 : i32 to index
    %get3A_227 = arith.constant 64 : index
    %get3A_228 = tpu.vector_load %arg8[%get3A_226, %get3A_227] {strides = array<i32>} : memref<4x128xi32, #tpu.memory_space<vmem>>, vector<1x16xi32>,
    %get3A_229 = vector.shape_cast %get3A_228 : vector<1x16xi32> to vector<16xi32>
    %lt3A_230 = arith.constant 501760 : i32
    %lt3A_231 = vector.broadcast %lt3A_230 : i32 to vector<16xi32>
    %lt3A_232 = arith.cmpi slt, %get3A_229, %lt3A_231 : vector<16xi32>
    %sub3A_233 = arith.constant 501760 : i32
    %sub3A_234 = vector.broadcast %sub3A_233 : i32 to vector<16xi32>
    %sub3A_235 = arith.subi %get3A_229, %sub3A_234 : vector<16xi32>
    %select_n3A_236 = arith.select %lt3A_232, %get3A_229, %sub3A_235 : vector<16xi1>, vector<16xi32>
    %swap3A_237 = arith.constant 1 : i32
    %swap3A_238 = arith.index_cast %swap3A_237 : i32 to index
    %swap3A_239 = arith.constant 64 : index
    %swap3A_240 = tpu.vector_load %arg9[%swap3A_238, %swap3A_239] {strides = array<i32>} : memref<4x128xi32, #tpu.memory_space<vmem>>, vector<1x16xi32>,
    %swap3A_241 = vector.shape_cast %swap3A_240 : vector<1x16xi32> to vector<16xi32>
    %swap3A_242 = vector.shape_cast %select_n3A_236 : vector<16xi32> to vector<1x16xi32>
    tpu.vector_store %arg9[%swap3A_238, %swap3A_239], %swap3A_242 {strides = array<i32>} : memref<4x128xi32, #tpu.memory_space<vmem>>, vector<1x16xi32>,
    %get3A_243 = arith.constant 1 : i32
    %get3A_244 = arith.index_cast %get3A_243 : i32 to index
    %get3A_245 = arith.constant 80 : index
    %get3A_246 = tpu.vector_load %arg8[%get3A_244, %get3A_245] {strides = array<i32>} : memref<4x128xi32, #tpu.memory_space<vmem>>, vector<1x16xi32>,
    %get3A_247 = vector.shape_cast %get3A_246 : vector<1x16xi32> to vector<16xi32>
    %lt3A_248 = arith.constant 501760 : i32
    %lt3A_249 = vector.broadcast %lt3A_248 : i32 to vector<16xi32>
    %lt3A_250 = arith.cmpi slt, %get3A_247, %lt3A_249 : vector<16xi32>
    %sub3A_251 = arith.constant 501760 : i32
    %sub3A_252 = vector.broadcast %sub3A_251 : i32 to vector<16xi32>
    %sub3A_253 = arith.subi %get3A_247, %sub3A_252 : vector<16xi32>
    %select_n3A_254 = arith.select %lt3A_250, %get3A_247, %sub3A_253 : vector<16xi1>, vector<16xi32>
    %swap3A_255 = arith.constant 1 : i32
    %swap3A_256 = arith.index_cast %swap3A_255 : i32 to index
    %swap3A_257 = arith.constant 80 : index
    %swap3A_258 = tpu.vector_load %arg9[%swap3A_256, %swap3A_257] {strides = array<i32>} : memref<4x128xi32, #tpu.memory_space<vmem>>, vector<1x16xi32>,
    %swap3A_259 = vector.shape_cast %swap3A_258 : vector<1x16xi32> to vector<16xi32>
    %swap3A_260 = vector.shape_cast %select_n3A_254 : vector<16xi32> to vector<1x16xi32>
    tpu.vector_store %arg9[%swap3A_256, %swap3A_257], %swap3A_260 {strides = array<i32>} : memref<4x128xi32, #tpu.memory_space<vmem>>, vector<1x16xi32>,
    %get3A_261 = arith.constant 1 : i32
    %get3A_262 = arith.index_cast %get3A_261 : i32 to index
    %get3A_263 = arith.constant 96 : index
    %get3A_264 = tpu.vector_load %arg8[%get3A_262, %get3A_263] {strides = array<i32>} : memref<4x128xi32, #tpu.memory_space<vmem>>, vector<1x16xi32>,
    %get3A_265 = vector.shape_cast %get3A_264 : vector<1x16xi32> to vector<16xi32>
    %lt3A_266 = arith.constant 501760 : i32
    %lt3A_267 = vector.broadcast %lt3A_266 : i32 to vector<16xi32>
    %lt3A_268 = arith.cmpi slt, %get3A_265, %lt3A_267 : vector<16xi32>
    %sub3A_269 = arith.constant 501760 : i32
    %sub3A_270 = vector.broadcast %sub3A_269 : i32 to vector<16xi32>
    %sub3A_271 = arith.subi %get3A_265, %sub3A_270 : vector<16xi32>
    %select_n3A_272 = arith.select %lt3A_268, %get3A_265, %sub3A_271 : vector<16xi1>, vector<16xi32>
    %swap3A_273 = arith.constant 1 : i32
    %swap3A_274 = arith.index_cast %swap3A_273 : i32 to index
    %swap3A_275 = arith.constant 96 : index
    %swap3A_276 = tpu.vector_load %arg9[%swap3A_274, %swap3A_275] {strides = array<i32>} : memref<4x128xi32, #tpu.memory_space<vmem>>, vector<1x16xi32>,
    %swap3A_277 = vector.shape_cast %swap3A_276 : vector<1x16xi32> to vector<16xi32>
    %swap3A_278 = vector.shape_cast %select_n3A_272 : vector<16xi32> to vector<1x16xi32>
    tpu.vector_store %arg9[%swap3A_274, %swap3A_275], %swap3A_278 {strides = array<i32>} : memref<4x128xi32, #tpu.memory_space<vmem>>, vector<1x16xi32>,
    %get3A_279 = arith.constant 1 : i32
    %get3A_280 = arith.index_cast %get3A_279 : i32 to index
    %get3A_281 = arith.constant 112 : index
    %get3A_282 = tpu.vector_load %arg8[%get3A_280, %get3A_281] {strides = array<i32>} : memref<4x128xi32, #tpu.memory_space<vmem>>, vector<1x16xi32>,
    %get3A_283 = vector.shape_cast %get3A_282 : vector<1x16xi32> to vector<16xi32>
    %lt3A_284 = arith.constant 501760 : i32
    %lt3A_285 = vector.broadcast %lt3A_284 : i32 to vector<16xi32>
    %lt3A_286 = arith.cmpi slt, %get3A_283, %lt3A_285 : vector<16xi32>
    %sub3A_287 = arith.constant 501760 : i32
    %sub3A_288 = vector.broadcast %sub3A_287 : i32 to vector<16xi32>
    %sub3A_289 = arith.subi %get3A_283, %sub3A_288 : vector<16xi32>
    %select_n3A_290 = arith.select %lt3A_286, %get3A_283, %sub3A_289 : vector<16xi1>, vector<16xi32>
    %swap3A_291 = arith.constant 1 : i32
    %swap3A_292 = arith.index_cast %swap3A_291 : i32 to index
    %swap3A_293 = arith.constant 112 : index
    %swap3A_294 = tpu.vector_load %arg9[%swap3A_292, %swap3A_293] {strides = array<i32>} : memref<4x128xi32, #tpu.memory_space<vmem>>, vector<1x16xi32>,
    %swap3A_295 = vector.shape_cast %swap3A_294 : vector<1x16xi32> to vector<16xi32>
    %swap3A_296 = vector.shape_cast %select_n3A_290 : vector<16xi32> to vector<1x16xi32>
    tpu.vector_store %arg9[%swap3A_292, %swap3A_293], %swap3A_296 {strides = array<i32>} : memref<4x128xi32, #tpu.memory_space<vmem>>, vector<1x16xi32>,
    %get3A_297 = arith.constant 2 : i32
    %get3A_298 = arith.index_cast %get3A_297 : i32 to index
    %get3A_299 = arith.constant 0 : index
    %get3A_300 = tpu.vector_load %arg8[%get3A_298, %get3A_299] {strides = array<i32>} : memref<4x128xi32, #tpu.memory_space<vmem>>, vector<1x16xi32>,
    %get3A_301 = vector.shape_cast %get3A_300 : vector<1x16xi32> to vector<16xi32>
    %lt3A_302 = arith.constant 501760 : i32
    %lt3A_303 = vector.broadcast %lt3A_302 : i32 to vector<16xi32>
    %lt3A_304 = arith.cmpi slt, %get3A_301, %lt3A_303 : vector<16xi32>
    %sub3A_305 = arith.constant 501760 : i32
    %sub3A_306 = vector.broadcast %sub3A_305 : i32 to vector<16xi32>
    %sub3A_307 = arith.subi %get3A_301, %sub3A_306 : vector<16xi32>
    %select_n3A_308 = arith.select %lt3A_304, %get3A_301, %sub3A_307 : vector<16xi1>, vector<16xi32>
    %swap3A_309 = arith.constant 2 : i32
    %swap3A_310 = arith.index_cast %swap3A_309 : i32 to index
    %swap3A_311 = arith.constant 0 : index
    %swap3A_312 = tpu.vector_load %arg9[%swap3A_310, %swap3A_311] {strides = array<i32>} : memref<4x128xi32, #tpu.memory_space<vmem>>, vector<1x16xi32>,
    %swap3A_313 = vector.shape_cast %swap3A_312 : vector<1x16xi32> to vector<16xi32>
    %swap3A_314 = vector.shape_cast %select_n3A_308 : vector<16xi32> to vector<1x16xi32>
    tpu.vector_store %arg9[%swap3A_310, %swap3A_311], %swap3A_314 {strides = array<i32>} : memref<4x128xi32, #tpu.memory_space<vmem>>, vector<1x16xi32>,
    %get3A_315 = arith.constant 2 : i32
    %get3A_316 = arith.index_cast %get3A_315 : i32 to index
    %get3A_317 = arith.constant 16 : index
    %get3A_318 = tpu.vector_load %arg8[%get3A_316, %get3A_317] {strides = array<i32>} : memref<4x128xi32, #tpu.memory_space<vmem>>, vector<1x16xi32>,
    %get3A_319 = vector.shape_cast %get3A_318 : vector<1x16xi32> to vector<16xi32>
    %lt3A_320 = arith.constant 501760 : i32
    %lt3A_321 = vector.broadcast %lt3A_320 : i32 to vector<16xi32>
    %lt3A_322 = arith.cmpi slt, %get3A_319, %lt3A_321 : vector<16xi32>
    %sub3A_323 = arith.constant 501760 : i32
    %sub3A_324 = vector.broadcast %sub3A_323 : i32 to vector<16xi32>
    %sub3A_325 = arith.subi %get3A_319, %sub3A_324 : vector<16xi32>
    %select_n3A_326 = arith.select %lt3A_322, %get3A_319, %sub3A_325 : vector<16xi1>, vector<16xi32>
    %swap3A_327 = arith.constant 2 : i32
    %swap3A_328 = arith.index_cast %swap3A_327 : i32 to index
    %swap3A_329 = arith.constant 16 : index
    %swap3A_330 = tpu.vector_load %arg9[%swap3A_328, %swap3A_329] {strides = array<i32>} : memref<4x128xi32, #tpu.memory_space<vmem>>, vector<1x16xi32>,
    %swap3A_331 = vector.shape_cast %swap3A_330 : vector<1x16xi32> to vector<16xi32>
    %swap3A_332 = vector.shape_cast %select_n3A_326 : vector<16xi32> to vector<1x16xi32>
    tpu.vector_store %arg9[%swap3A_328, %swap3A_329], %swap3A_332 {strides = array<i32>} : memref<4x128xi32, #tpu.memory_space<vmem>>, vector<1x16xi32>,
    %get3A_333 = arith.constant 2 : i32
    %get3A_334 = arith.index_cast %get3A_333 : i32 to index
    %get3A_335 = arith.constant 32 : index
    %get3A_336 = tpu.vector_load %arg8[%get3A_334, %get3A_335] {strides = array<i32>} : memref<4x128xi32, #tpu.memory_space<vmem>>, vector<1x16xi32>,
    %get3A_337 = vector.shape_cast %get3A_336 : vector<1x16xi32> to vector<16xi32>
    %lt3A_338 = arith.constant 501760 : i32
    %lt3A_339 = vector.broadcast %lt3A_338 : i32 to vector<16xi32>
    %lt3A_340 = arith.cmpi slt, %get3A_337, %lt3A_339 : vector<16xi32>
    %sub3A_341 = arith.constant 501760 : i32
    %sub3A_342 = vector.broadcast %sub3A_341 : i32 to vector<16xi32>
    %sub3A_343 = arith.subi %get3A_337, %sub3A_342 : vector<16xi32>
    %select_n3A_344 = arith.select %lt3A_340, %get3A_337, %sub3A_343 : vector<16xi1>, vector<16xi32>
    %swap3A_345 = arith.constant 2 : i32
    %swap3A_346 = arith.index_cast %swap3A_345 : i32 to index
    %swap3A_347 = arith.constant 32 : index
    %swap3A_348 = tpu.vector_load %arg9[%swap3A_346, %swap3A_347] {strides = array<i32>} : memref<4x128xi32, #tpu.memory_space<vmem>>, vector<1x16xi32>,
    %swap3A_349 = vector.shape_cast %swap3A_348 : vector<1x16xi32> to vector<16xi32>
    %swap3A_350 = vector.shape_cast %select_n3A_344 : vector<16xi32> to vector<1x16xi32>
    tpu.vector_store %arg9[%swap3A_346, %swap3A_347], %swap3A_350 {strides = array<i32>} : memref<4x128xi32, #tpu.memory_space<vmem>>, vector<1x16xi32>,
    %get3A_351 = arith.constant 2 : i32
    %get3A_352 = arith.index_cast %get3A_351 : i32 to index
    %get3A_353 = arith.constant 48 : index
    %get3A_354 = tpu.vector_load %arg8[%get3A_352, %get3A_353] {strides = array<i32>} : memref<4x128xi32, #tpu.memory_space<vmem>>, vector<1x16xi32>,
    %get3A_355 = vector.shape_cast %get3A_354 : vector<1x16xi32> to vector<16xi32>
    %lt3A_356 = arith.constant 501760 : i32
    %lt3A_357 = vector.broadcast %lt3A_356 : i32 to vector<16xi32>
    %lt3A_358 = arith.cmpi slt, %get3A_355, %lt3A_357 : vector<16xi32>
    %sub3A_359 = arith.constant 501760 : i32
    %sub3A_360 = vector.broadcast %sub3A_359 : i32 to vector<16xi32>
    %sub3A_361 = arith.subi %get3A_355, %sub3A_360 : vector<16xi32>
    %select_n3A_362 = arith.select %lt3A_358, %get3A_355, %sub3A_361 : vector<16xi1>, vector<16xi32>
    %swap3A_363 = arith.constant 2 : i32
    %swap3A_364 = arith.index_cast %swap3A_363 : i32 to index
    %swap3A_365 = arith.constant 48 : index
    %swap3A_366 = tpu.vector_load %arg9[%swap3A_364, %swap3A_365] {strides = array<i32>} : memref<4x128xi32, #tpu.memory_space<vmem>>, vector<1x16xi32>,
    %swap3A_367 = vector.shape_cast %swap3A_366 : vector<1x16xi32> to vector<16xi32>
    %swap3A_368 = vector.shape_cast %select_n3A_362 : vector<16xi32> to vector<1x16xi32>
    tpu.vector_store %arg9[%swap3A_364, %swap3A_365], %swap3A_368 {strides = array<i32>} : memref<4x128xi32, #tpu.memory_space<vmem>>, vector<1x16xi32>,
    %get3A_369 = arith.constant 2 : i32
    %get3A_370 = arith.index_cast %get3A_369 : i32 to index
    %get3A_371 = arith.constant 64 : index
    %get3A_372 = tpu.vector_load %arg8[%get3A_370, %get3A_371] {strides = array<i32>} : memref<4x128xi32, #tpu.memory_space<vmem>>, vector<1x16xi32>,
    %get3A_373 = vector.shape_cast %get3A_372 : vector<1x16xi32> to vector<16xi32>
    %lt3A_374 = arith.constant 501760 : i32
    %lt3A_375 = vector.broadcast %lt3A_374 : i32 to vector<16xi32>
    %lt3A_376 = arith.cmpi slt, %get3A_373, %lt3A_375 : vector<16xi32>
    %sub3A_377 = arith.constant 501760 : i32
    %sub3A_378 = vector.broadcast %sub3A_377 : i32 to vector<16xi32>
    %sub3A_379 = arith.subi %get3A_373, %sub3A_378 : vector<16xi32>
    %select_n3A_380 = arith.select %lt3A_376, %get3A_373, %sub3A_379 : vector<16xi1>, vector<16xi32>
    %swap3A_381 = arith.constant 2 : i32
    %swap3A_382 = arith.index_cast %swap3A_381 : i32 to index
    %swap3A_383 = arith.constant 64 : index
    %swap3A_384 = tpu.vector_load %arg9[%swap3A_382, %swap3A_383] {strides = array<i32>} : memref<4x128xi32, #tpu.memory_space<vmem>>, vector<1x16xi32>,
    %swap3A_385 = vector.shape_cast %swap3A_384 : vector<1x16xi32> to vector<16xi32>
    %swap3A_386 = vector.shape_cast %select_n3A_380 : vector<16xi32> to vector<1x16xi32>
    tpu.vector_store %arg9[%swap3A_382, %swap3A_383], %swap3A_386 {strides = array<i32>} : memref<4x128xi32, #tpu.memory_space<vmem>>, vector<1x16xi32>,
    %get3A_387 = arith.constant 2 : i32
    %get3A_388 = arith.index_cast %get3A_387 : i32 to index
    %get3A_389 = arith.constant 80 : index
    %get3A_390 = tpu.vector_load %arg8[%get3A_388, %get3A_389] {strides = array<i32>} : memref<4x128xi32, #tpu.memory_space<vmem>>, vector<1x16xi32>,
    %get3A_391 = vector.shape_cast %get3A_390 : vector<1x16xi32> to vector<16xi32>
    %lt3A_392 = arith.constant 501760 : i32
    %lt3A_393 = vector.broadcast %lt3A_392 : i32 to vector<16xi32>
    %lt3A_394 = arith.cmpi slt, %get3A_391, %lt3A_393 : vector<16xi32>
    %sub3A_395 = arith.constant 501760 : i32
    %sub3A_396 = vector.broadcast %sub3A_395 : i32 to vector<16xi32>
    %sub3A_397 = arith.subi %get3A_391, %sub3A_396 : vector<16xi32>
    %select_n3A_398 = arith.select %lt3A_394, %get3A_391, %sub3A_397 : vector<16xi1>, vector<16xi32>
    %swap3A_399 = arith.constant 2 : i32
    %swap3A_400 = arith.index_cast %swap3A_399 : i32 to index
    %swap3A_401 = arith.constant 80 : index
    %swap3A_402 = tpu.vector_load %arg9[%swap3A_400, %swap3A_401] {strides = array<i32>} : memref<4x128xi32, #tpu.memory_space<vmem>>, vector<1x16xi32>,
    %swap3A_403 = vector.shape_cast %swap3A_402 : vector<1x16xi32> to vector<16xi32>
    %swap3A_404 = vector.shape_cast %select_n3A_398 : vector<16xi32> to vector<1x16xi32>
    tpu.vector_store %arg9[%swap3A_400, %swap3A_401], %swap3A_404 {strides = array<i32>} : memref<4x128xi32, #tpu.memory_space<vmem>>, vector<1x16xi32>,
    %get3A_405 = arith.constant 2 : i32
    %get3A_406 = arith.index_cast %get3A_405 : i32 to index
    %get3A_407 = arith.constant 96 : index
    %get3A_408 = tpu.vector_load %arg8[%get3A_406, %get3A_407] {strides = array<i32>} : memref<4x128xi32, #tpu.memory_space<vmem>>, vector<1x16xi32>,
    %get3A_409 = vector.shape_cast %get3A_408 : vector<1x16xi32> to vector<16xi32>
    %lt3A_410 = arith.constant 501760 : i32
    %lt3A_411 = vector.broadcast %lt3A_410 : i32 to vector<16xi32>
    %lt3A_412 = arith.cmpi slt, %get3A_409, %lt3A_411 : vector<16xi32>
    %sub3A_413 = arith.constant 501760 : i32
    %sub3A_414 = vector.broadcast %sub3A_413 : i32 to vector<16xi32>
    %sub3A_415 = arith.subi %get3A_409, %sub3A_414 : vector<16xi32>
    %select_n3A_416 = arith.select %lt3A_412, %get3A_409, %sub3A_415 : vector<16xi1>, vector<16xi32>
    %swap3A_417 = arith.constant 2 : i32
    %swap3A_418 = arith.index_cast %swap3A_417 : i32 to index
    %swap3A_419 = arith.constant 96 : index
    %swap3A_420 = tpu.vector_load %arg9[%swap3A_418, %swap3A_419] {strides = array<i32>} : memref<4x128xi32, #tpu.memory_space<vmem>>, vector<1x16xi32>,
    %swap3A_421 = vector.shape_cast %swap3A_420 : vector<1x16xi32> to vector<16xi32>
    %swap3A_422 = vector.shape_cast %select_n3A_416 : vector<16xi32> to vector<1x16xi32>
    tpu.vector_store %arg9[%swap3A_418, %swap3A_419], %swap3A_422 {strides = array<i32>} : memref<4x128xi32, #tpu.memory_space<vmem>>, vector<1x16xi32>,
    %get3A_423 = arith.constant 2 : i32
    %get3A_424 = arith.index_cast %get3A_423 : i32 to index
    %get3A_425 = arith.constant 112 : index
    %get3A_426 = tpu.vector_load %arg8[%get3A_424, %get3A_425] {strides = array<i32>} : memref<4x128xi32, #tpu.memory_space<vmem>>, vector<1x16xi32>,
    %get3A_427 = vector.shape_cast %get3A_426 : vector<1x16xi32> to vector<16xi32>
    %lt3A_428 = arith.constant 501760 : i32
    %lt3A_429 = vector.broadcast %lt3A_428 : i32 to vector<16xi32>
    %lt3A_430 = arith.cmpi slt, %get3A_427, %lt3A_429 : vector<16xi32>
    %sub3A_431 = arith.constant 501760 : i32
    %sub3A_432 = vector.broadcast %sub3A_431 : i32 to vector<16xi32>
    %sub3A_433 = arith.subi %get3A_427, %sub3A_432 : vector<16xi32>
    %select_n3A_434 = arith.select %lt3A_430, %get3A_427, %sub3A_433 : vector<16xi1>, vector<16xi32>
    %swap3A_435 = arith.constant 2 : i32
    %swap3A_436 = arith.index_cast %swap3A_435 : i32 to index
    %swap3A_437 = arith.constant 112 : index
    %swap3A_438 = tpu.vector_load %arg9[%swap3A_436, %swap3A_437] {strides = array<i32>} : memref<4x128xi32, #tpu.memory_space<vmem>>, vector<1x16xi32>,
    %swap3A_439 = vector.shape_cast %swap3A_438 : vector<1x16xi32> to vector<16xi32>
    %swap3A_440 = vector.shape_cast %select_n3A_434 : vector<16xi32> to vector<1x16xi32>
    tpu.vector_store %arg9[%swap3A_436, %swap3A_437], %swap3A_440 {strides = array<i32>} : memref<4x128xi32, #tpu.memory_space<vmem>>, vector<1x16xi32>,
    %get3A_441 = arith.constant 3 : i32
    %get3A_442 = arith.index_cast %get3A_441 : i32 to index
    %get3A_443 = arith.constant 0 : index
    %get3A_444 = tpu.vector_load %arg8[%get3A_442, %get3A_443] {strides = array<i32>} : memref<4x128xi32, #tpu.memory_space<vmem>>, vector<1x16xi32>,
    %get3A_445 = vector.shape_cast %get3A_444 : vector<1x16xi32> to vector<16xi32>
    %lt3A_446 = arith.constant 501760 : i32
    %lt3A_447 = vector.broadcast %lt3A_446 : i32 to vector<16xi32>
    %lt3A_448 = arith.cmpi slt, %get3A_445, %lt3A_447 : vector<16xi32>
    %sub3A_449 = arith.constant 501760 : i32
    %sub3A_450 = vector.broadcast %sub3A_449 : i32 to vector<16xi32>
    %sub3A_451 = arith.subi %get3A_445, %sub3A_450 : vector<16xi32>
    %select_n3A_452 = arith.select %lt3A_448, %get3A_445, %sub3A_451 : vector<16xi1>, vector<16xi32>
    %swap3A_453 = arith.constant 3 : i32
    %swap3A_454 = arith.index_cast %swap3A_453 : i32 to index
    %swap3A_455 = arith.constant 0 : index
    %swap3A_456 = tpu.vector_load %arg9[%swap3A_454, %swap3A_455] {strides = array<i32>} : memref<4x128xi32, #tpu.memory_space<vmem>>, vector<1x16xi32>,
    %swap3A_457 = vector.shape_cast %swap3A_456 : vector<1x16xi32> to vector<16xi32>
    %swap3A_458 = vector.shape_cast %select_n3A_452 : vector<16xi32> to vector<1x16xi32>
    tpu.vector_store %arg9[%swap3A_454, %swap3A_455], %swap3A_458 {strides = array<i32>} : memref<4x128xi32, #tpu.memory_space<vmem>>, vector<1x16xi32>,
    %get3A_459 = arith.constant 3 : i32
    %get3A_460 = arith.index_cast %get3A_459 : i32 to index
    %get3A_461 = arith.constant 16 : index
    %get3A_462 = tpu.vector_load %arg8[%get3A_460, %get3A_461] {strides = array<i32>} : memref<4x128xi32, #tpu.memory_space<vmem>>, vector<1x16xi32>,
    %get3A_463 = vector.shape_cast %get3A_462 : vector<1x16xi32> to vector<16xi32>
    %lt3A_464 = arith.constant 501760 : i32
    %lt3A_465 = vector.broadcast %lt3A_464 : i32 to vector<16xi32>
    %lt3A_466 = arith.cmpi slt, %get3A_463, %lt3A_465 : vector<16xi32>
    %sub3A_467 = arith.constant 501760 : i32
    %sub3A_468 = vector.broadcast %sub3A_467 : i32 to vector<16xi32>
    %sub3A_469 = arith.subi %get3A_463, %sub3A_468 : vector<16xi32>
    %select_n3A_470 = arith.select %lt3A_466, %get3A_463, %sub3A_469 : vector<16xi1>, vector<16xi32>
    %swap3A_471 = arith.constant 3 : i32
    %swap3A_472 = arith.index_cast %swap3A_471 : i32 to index
    %swap3A_473 = arith.constant 16 : index
    %swap3A_474 = tpu.vector_load %arg9[%swap3A_472, %swap3A_473] {strides = array<i32>} : memref<4x128xi32, #tpu.memory_space<vmem>>, vector<1x16xi32>,
    %swap3A_475 = vector.shape_cast %swap3A_474 : vector<1x16xi32> to vector<16xi32>
    %swap3A_476 = vector.shape_cast %select_n3A_470 : vector<16xi32> to vector<1x16xi32>
    tpu.vector_store %arg9[%swap3A_472, %swap3A_473], %swap3A_476 {strides = array<i32>} : memref<4x128xi32, #tpu.memory_space<vmem>>, vector<1x16xi32>,
    %get3A_477 = arith.constant 3 : i32
    %get3A_478 = arith.index_cast %get3A_477 : i32 to index
    %get3A_479 = arith.constant 32 : index
    %get3A_480 = tpu.vector_load %arg8[%get3A_478, %get3A_479] {strides = array<i32>} : memref<4x128xi32, #tpu.memory_space<vmem>>, vector<1x16xi32>,
    %get3A_481 = vector.shape_cast %get3A_480 : vector<1x16xi32> to vector<16xi32>
    %lt3A_482 = arith.constant 501760 : i32
    %lt3A_483 = vector.broadcast %lt3A_482 : i32 to vector<16xi32>
    %lt3A_484 = arith.cmpi slt, %get3A_481, %lt3A_483 : vector<16xi32>
    %sub3A_485 = arith.constant 501760 : i32
    %sub3A_486 = vector.broadcast %sub3A_485 : i32 to vector<16xi32>
    %sub3A_487 = arith.subi %get3A_481, %sub3A_486 : vector<16xi32>
    %select_n3A_488 = arith.select %lt3A_484, %get3A_481, %sub3A_487 : vector<16xi1>, vector<16xi32>
    %swap3A_489 = arith.constant 3 : i32
    %swap3A_490 = arith.index_cast %swap3A_489 : i32 to index
    %swap3A_491 = arith.constant 32 : index
    %swap3A_492 = tpu.vector_load %arg9[%swap3A_490, %swap3A_491] {strides = array<i32>} : memref<4x128xi32, #tpu.memory_space<vmem>>, vector<1x16xi32>,
    %swap3A_493 = vector.shape_cast %swap3A_492 : vector<1x16xi32> to vector<16xi32>
    %swap3A_494 = vector.shape_cast %select_n3A_488 : vector<16xi32> to vector<1x16xi32>
    tpu.vector_store %arg9[%swap3A_490, %swap3A_491], %swap3A_494 {strides = array<i32>} : memref<4x128xi32, #tpu.memory_space<vmem>>, vector<1x16xi32>,
    %get3A_495 = arith.constant 3 : i32
    %get3A_496 = arith.index_cast %get3A_495 : i32 to index
    %get3A_497 = arith.constant 48 : index
    %get3A_498 = tpu.vector_load %arg8[%get3A_496, %get3A_497] {strides = array<i32>} : memref<4x128xi32, #tpu.memory_space<vmem>>, vector<1x16xi32>,
    %get3A_499 = vector.shape_cast %get3A_498 : vector<1x16xi32> to vector<16xi32>
    %lt3A_500 = arith.constant 501760 : i32
    %lt3A_501 = vector.broadcast %lt3A_500 : i32 to vector<16xi32>
    %lt3A_502 = arith.cmpi slt, %get3A_499, %lt3A_501 : vector<16xi32>
    %sub3A_503 = arith.constant 501760 : i32
    %sub3A_504 = vector.broadcast %sub3A_503 : i32 to vector<16xi32>
    %sub3A_505 = arith.subi %get3A_499, %sub3A_504 : vector<16xi32>
    %select_n3A_506 = arith.select %lt3A_502, %get3A_499, %sub3A_505 : vector<16xi1>, vector<16xi32>
    %swap3A_507 = arith.constant 3 : i32
    %swap3A_508 = arith.index_cast %swap3A_507 : i32 to index
    %swap3A_509 = arith.constant 48 : index
    %swap3A_510 = tpu.vector_load %arg9[%swap3A_508, %swap3A_509] {strides = array<i32>} : memref<4x128xi32, #tpu.memory_space<vmem>>, vector<1x16xi32>,
    %swap3A_511 = vector.shape_cast %swap3A_510 : vector<1x16xi32> to vector<16xi32>
    %swap3A_512 = vector.shape_cast %select_n3A_506 : vector<16xi32> to vector<1x16xi32>
    tpu.vector_store %arg9[%swap3A_508, %swap3A_509], %swap3A_512 {strides = array<i32>} : memref<4x128xi32, #tpu.memory_space<vmem>>, vector<1x16xi32>,
    %get3A_513 = arith.constant 3 : i32
    %get3A_514 = arith.index_cast %get3A_513 : i32 to index
    %get3A_515 = arith.constant 64 : index
    %get3A_516 = tpu.vector_load %arg8[%get3A_514, %get3A_515] {strides = array<i32>} : memref<4x128xi32, #tpu.memory_space<vmem>>, vector<1x16xi32>,
    %get3A_517 = vector.shape_cast %get3A_516 : vector<1x16xi32> to vector<16xi32>
    %lt3A_518 = arith.constant 501760 : i32
    %lt3A_519 = vector.broadcast %lt3A_518 : i32 to vector<16xi32>
    %lt3A_520 = arith.cmpi slt, %get3A_517, %lt3A_519 : vector<16xi32>
    %sub3A_521 = arith.constant 501760 : i32
    %sub3A_522 = vector.broadcast %sub3A_521 : i32 to vector<16xi32>
    %sub3A_523 = arith.subi %get3A_517, %sub3A_522 : vector<16xi32>
    %select_n3A_524 = arith.select %lt3A_520, %get3A_517, %sub3A_523 : vector<16xi1>, vector<16xi32>
    %swap3A_525 = arith.constant 3 : i32
    %swap3A_526 = arith.index_cast %swap3A_525 : i32 to index
    %swap3A_527 = arith.constant 64 : index
    %swap3A_528 = tpu.vector_load %arg9[%swap3A_526, %swap3A_527] {strides = array<i32>} : memref<4x128xi32, #tpu.memory_space<vmem>>, vector<1x16xi32>,
    %swap3A_529 = vector.shape_cast %swap3A_528 : vector<1x16xi32> to vector<16xi32>
    %swap3A_530 = vector.shape_cast %select_n3A_524 : vector<16xi32> to vector<1x16xi32>
    tpu.vector_store %arg9[%swap3A_526, %swap3A_527], %swap3A_530 {strides = array<i32>} : memref<4x128xi32, #tpu.memory_space<vmem>>, vector<1x16xi32>,
    %get3A_531 = arith.constant 3 : i32
    %get3A_532 = arith.index_cast %get3A_531 : i32 to index
    %get3A_533 = arith.constant 80 : index
    %get3A_534 = tpu.vector_load %arg8[%get3A_532, %get3A_533] {strides = array<i32>} : memref<4x128xi32, #tpu.memory_space<vmem>>, vector<1x16xi32>,
    %get3A_535 = vector.shape_cast %get3A_534 : vector<1x16xi32> to vector<16xi32>
    %lt3A_536 = arith.constant 501760 : i32
    %lt3A_537 = vector.broadcast %lt3A_536 : i32 to vector<16xi32>
    %lt3A_538 = arith.cmpi slt, %get3A_535, %lt3A_537 : vector<16xi32>
    %sub3A_539 = arith.constant 501760 : i32
    %sub3A_540 = vector.broadcast %sub3A_539 : i32 to vector<16xi32>
    %sub3A_541 = arith.subi %get3A_535, %sub3A_540 : vector<16xi32>
    %select_n3A_542 = arith.select %lt3A_538, %get3A_535, %sub3A_541 : vector<16xi1>, vector<16xi32>
    %swap3A_543 = arith.constant 3 : i32
    %swap3A_544 = arith.index_cast %swap3A_543 : i32 to index
    %swap3A_545 = arith.constant 80 : index
    %swap3A_546 = tpu.vector_load %arg9[%swap3A_544, %swap3A_545] {strides = array<i32>} : memref<4x128xi32, #tpu.memory_space<vmem>>, vector<1x16xi32>,
    %swap3A_547 = vector.shape_cast %swap3A_546 : vector<1x16xi32> to vector<16xi32>
    %swap3A_548 = vector.shape_cast %select_n3A_542 : vector<16xi32> to vector<1x16xi32>
    tpu.vector_store %arg9[%swap3A_544, %swap3A_545], %swap3A_548 {strides = array<i32>} : memref<4x128xi32, #tpu.memory_space<vmem>>, vector<1x16xi32>,
    %get3A_549 = arith.constant 3 : i32
    %get3A_550 = arith.index_cast %get3A_549 : i32 to index
    %get3A_551 = arith.constant 96 : index
    %get3A_552 = tpu.vector_load %arg8[%get3A_550, %get3A_551] {strides = array<i32>} : memref<4x128xi32, #tpu.memory_space<vmem>>, vector<1x16xi32>,
    %get3A_553 = vector.shape_cast %get3A_552 : vector<1x16xi32> to vector<16xi32>
    %lt3A_554 = arith.constant 501760 : i32
    %lt3A_555 = vector.broadcast %lt3A_554 : i32 to vector<16xi32>
    %lt3A_556 = arith.cmpi slt, %get3A_553, %lt3A_555 : vector<16xi32>
    %sub3A_557 = arith.constant 501760 : i32
    %sub3A_558 = vector.broadcast %sub3A_557 : i32 to vector<16xi32>
    %sub3A_559 = arith.subi %get3A_553, %sub3A_558 : vector<16xi32>
    %select_n3A_560 = arith.select %lt3A_556, %get3A_553, %sub3A_559 : vector<16xi1>, vector<16xi32>
    %swap3A_561 = arith.constant 3 : i32
    %swap3A_562 = arith.index_cast %swap3A_561 : i32 to index
    %swap3A_563 = arith.constant 96 : index
    %swap3A_564 = tpu.vector_load %arg9[%swap3A_562, %swap3A_563] {strides = array<i32>} : memref<4x128xi32, #tpu.memory_space<vmem>>, vector<1x16xi32>,
    %swap3A_565 = vector.shape_cast %swap3A_564 : vector<1x16xi32> to vector<16xi32>
    %swap3A_566 = vector.shape_cast %select_n3A_560 : vector<16xi32> to vector<1x16xi32>
    tpu.vector_store %arg9[%swap3A_562, %swap3A_563], %swap3A_566 {strides = array<i32>} : memref<4x128xi32, #tpu.memory_space<vmem>>, vector<1x16xi32>,
    %get3A_567 = arith.constant 3 : i32
    %get3A_568 = arith.index_cast %get3A_567 : i32 to index
    %get3A_569 = arith.constant 112 : index
    %get3A_570 = tpu.vector_load %arg8[%get3A_568, %get3A_569] {strides = array<i32>} : memref<4x128xi32, #tpu.memory_space<vmem>>, vector<1x16xi32>,
    %get3A_571 = vector.shape_cast %get3A_570 : vector<1x16xi32> to vector<16xi32>
    %lt3A_572 = arith.constant 501760 : i32
    %lt3A_573 = vector.broadcast %lt3A_572 : i32 to vector<16xi32>
    %lt3A_574 = arith.cmpi slt, %get3A_571, %lt3A_573 : vector<16xi32>
    %sub3A_575 = arith.constant 501760 : i32
    %sub3A_576 = vector.broadcast %sub3A_575 : i32 to vector<16xi32>
    %sub3A_577 = arith.subi %get3A_571, %sub3A_576 : vector<16xi32>
    %select_n3A_578 = arith.select %lt3A_574, %get3A_571, %sub3A_577 : vector<16xi1>, vector<16xi32>
    %swap3A_579 = arith.constant 3 : i32
    %swap3A_580 = arith.index_cast %swap3A_579 : i32 to index
    %swap3A_581 = arith.constant 112 : index
    %swap3A_582 = tpu.vector_load %arg9[%swap3A_580, %swap3A_581] {strides = array<i32>} : memref<4x128xi32, #tpu.memory_space<vmem>>, vector<1x16xi32>,
    %swap3A_583 = vector.shape_cast %swap3A_582 : vector<1x16xi32> to vector<16xi32>
    %swap3A_584 = vector.shape_cast %select_n3A_578 : vector<16xi32> to vector<1x16xi32>
    tpu.vector_store %arg9[%swap3A_580, %swap3A_581], %swap3A_584 {strides = array<i32>} : memref<4x128xi32, #tpu.memory_space<vmem>>, vector<1x16xi32>,
    %dma_start3A = arith.constant 0 : i32
    %dma_start3A_585 = arith.constant 0 : i32
    %dma_start3A_586 = arith.constant 0 : i32
    %dma_start3A_587 = tpu.memref_slice %arg10[%dma_start3A_585, %dma_start3A_586] : memref<512x128xf32, #tpu.memory_space<vmem>> -> memref<128x128xf32, #tpu.memory_space<vmem>>
    %dma_start3A_588 = arith.constant 0 : i32
    %dma_start3A_589 = tpu.memref_slice %arg9[%dma_start3A, %dma_start3A_588] : memref<4x128xi32, #tpu.memory_space<vmem>> -> memref<1x128xi32, #tpu.memory_space<vmem>>
    %dma_start3A_590 = tpu.memref_squeeze %dma_start3A_589 : memref<1x128xi32, #tpu.memory_space<vmem>> -> memref<128xi32, #tpu.memory_space<vmem>>
    %dma_start3A_591 = arith.constant 0 : i32
    %dma_start3A_592 = arith.constant 0 : i32
    %dma_start3A_593 = tpu.memref_slice %arg4[%dma_start3A_591, %dma_start3A_592] : memref<501760x128xf32, #tpu.memory_space<hbm>> -> memref<501760x128xf32, #tpu.memory_space<hbm>>
    tpu.enqueue_indirect_dma source(%dma_start3A_593 : memref<501760x128xf32, #tpu.memory_space<hbm>>) target(%dma_start3A_587 : memref<128x128xf32, #tpu.memory_space<vmem>>) offsets(%dma_start3A_590 : memref<128xi32, #tpu.memory_space<vmem>>) semaphore(%arg11 : memref<!tpu.dma_semaphore, #tpu.memory_space<semaphore_mem>>)
    %dma_start3A_594 = arith.constant 1 : i32
    %dma_start3A_595 = arith.constant 128 : i32
    %dma_start3A_596 = arith.constant 0 : i32
    %dma_start3A_597 = tpu.memref_slice %arg10[%dma_start3A_595, %dma_start3A_596] : memref<512x128xf32, #tpu.memory_space<vmem>> -> memref<128x128xf32, #tpu.memory_space<vmem>>
    %dma_start3A_598 = arith.constant 0 : i32
    %dma_start3A_599 = tpu.memref_slice %arg9[%dma_start3A_594, %dma_start3A_598] : memref<4x128xi32, #tpu.memory_space<vmem>> -> memref<1x128xi32, #tpu.memory_space<vmem>>
    %dma_start3A_600 = tpu.memref_squeeze %dma_start3A_599 : memref<1x128xi32, #tpu.memory_space<vmem>> -> memref<128xi32, #tpu.memory_space<vmem>>
    %dma_start3A_601 = arith.constant 0 : i32
    %dma_start3A_602 = arith.constant 0 : i32
    %dma_start3A_603 = tpu.memref_slice %arg4[%dma_start3A_601, %dma_start3A_602] : memref<501760x128xf32, #tpu.memory_space<hbm>> -> memref<501760x128xf32, #tpu.memory_space<hbm>>
    tpu.enqueue_indirect_dma source(%dma_start3A_603 : memref<501760x128xf32, #tpu.memory_space<hbm>>) target(%dma_start3A_597 : memref<128x128xf32, #tpu.memory_space<vmem>>) offsets(%dma_start3A_600 : memref<128xi32, #tpu.memory_space<vmem>>) semaphore(%arg11 : memref<!tpu.dma_semaphore, #tpu.memory_space<semaphore_mem>>)
    %dma_start3A_604 = arith.constant 2 : i32
    %dma_start3A_605 = arith.constant 256 : i32
    %dma_start3A_606 = arith.constant 0 : i32
    %dma_start3A_607 = tpu.memref_slice %arg10[%dma_start3A_605, %dma_start3A_606] : memref<512x128xf32, #tpu.memory_space<vmem>> -> memref<128x128xf32, #tpu.memory_space<vmem>>
    %dma_start3A_608 = arith.constant 0 : i32
    %dma_start3A_609 = tpu.memref_slice %arg9[%dma_start3A_604, %dma_start3A_608] : memref<4x128xi32, #tpu.memory_space<vmem>> -> memref<1x128xi32, #tpu.memory_space<vmem>>
    %dma_start3A_610 = tpu.memref_squeeze %dma_start3A_609 : memref<1x128xi32, #tpu.memory_space<vmem>> -> memref<128xi32, #tpu.memory_space<vmem>>
    %dma_start3A_611 = arith.constant 0 : i32
    %dma_start3A_612 = arith.constant 0 : i32
    %dma_start3A_613 = tpu.memref_slice %arg4[%dma_start3A_611, %dma_start3A_612] : memref<501760x128xf32, #tpu.memory_space<hbm>> -> memref<501760x128xf32, #tpu.memory_space<hbm>>
    tpu.enqueue_indirect_dma source(%dma_start3A_613 : memref<501760x128xf32, #tpu.memory_space<hbm>>) target(%dma_start3A_607 : memref<128x128xf32, #tpu.memory_space<vmem>>) offsets(%dma_start3A_610 : memref<128xi32, #tpu.memory_space<vmem>>) semaphore(%arg11 : memref<!tpu.dma_semaphore, #tpu.memory_space<semaphore_mem>>)
    %dma_start3A_614 = arith.constant 3 : i32
    %dma_start3A_615 = arith.constant 384 : i32
    %dma_start3A_616 = arith.constant 0 : i32
    %dma_start3A_617 = tpu.memref_slice %arg10[%dma_start3A_615, %dma_start3A_616] : memref<512x128xf32, #tpu.memory_space<vmem>> -> memref<128x128xf32, #tpu.memory_space<vmem>>
    %dma_start3A_618 = arith.constant 0 : i32
    %dma_start3A_619 = tpu.memref_slice %arg9[%dma_start3A_614, %dma_start3A_618] : memref<4x128xi32, #tpu.memory_space<vmem>> -> memref<1x128xi32, #tpu.memory_space<vmem>>
    %dma_start3A_620 = tpu.memref_squeeze %dma_start3A_619 : memref<1x128xi32, #tpu.memory_space<vmem>> -> memref<128xi32, #tpu.memory_space<vmem>>
    %dma_start3A_621 = arith.constant 0 : i32
    %dma_start3A_622 = arith.constant 0 : i32
    %dma_start3A_623 = tpu.memref_slice %arg4[%dma_start3A_621, %dma_start3A_622] : memref<501760x128xf32, #tpu.memory_space<hbm>> -> memref<501760x128xf32, #tpu.memory_space<hbm>>
    tpu.enqueue_indirect_dma source(%dma_start3A_623 : memref<501760x128xf32, #tpu.memory_space<hbm>>) target(%dma_start3A_617 : memref<128x128xf32, #tpu.memory_space<vmem>>) offsets(%dma_start3A_620 : memref<128xi32, #tpu.memory_space<vmem>>) semaphore(%arg11 : memref<!tpu.dma_semaphore, #tpu.memory_space<semaphore_mem>>)
    %dma_wait3A = arith.constant 0 : i32
    %dma_wait3A_624 = arith.constant 0 : i32
    %dma_wait3A_625 = tpu.memref_slice %arg4[%dma_wait3A, %dma_wait3A_624] : memref<501760x128xf32, #tpu.memory_space<hbm>> -> memref<512x128xf32, #tpu.memory_space<hbm>>
    %dma_wait3A_626 = arith.constant 0 : i32
    %dma_wait3A_627 = arith.constant 0 : i32
    %dma_wait3A_628 = tpu.memref_slice %arg4[%dma_wait3A_626, %dma_wait3A_627] : memref<501760x128xf32, #tpu.memory_space<hbm>> -> memref<512x128xf32, #tpu.memory_space<hbm>>
    tpu.wait_dma2 semaphore(%arg11 : memref<!tpu.dma_semaphore, #tpu.memory_space<semaphore_mem>>) src(%dma_wait3A_628 : memref<512x128xf32, #tpu.memory_space<hbm>>) dst(%arg10 : memref<512x128xf32, #tpu.memory_space<vmem>>)
    "tpu.region"() ({
      %run_scoped3A_1263 = tpu.sem_alloc : memref<!tpu.dma_semaphore, #tpu.memory_space<semaphore_mem>>
      %dma_start3A_1264 = arith.constant 0 : i32
      %dma_start3A_1265 = tpu.memref_slice %arg6[%mul3A_2, %dma_start3A_1264] : memref<16384x128xf32, #tpu.memory_space<hbm>> -> memref<512x128xf32, #tpu.memory_space<hbm>>
      %dma_start3A_1266 = arith.constant 0 : i32
      %dma_start3A_1267 = tpu.memref_slice %arg6[%mul3A_2, %dma_start3A_1266] : memref<16384x128xf32, #tpu.memory_space<hbm>> -> memref<512x128xf32, #tpu.memory_space<hbm>>
      tpu.enqueue_dma source(%arg10 : memref<512x128xf32, #tpu.memory_space<vmem>>) target(%dma_start3A_1267 : memref<512x128xf32, #tpu.memory_space<hbm>>) target_semaphore(%run_scoped3A_1263 : memref<!tpu.dma_semaphore, #tpu.memory_space<semaphore_mem>>)
      %dma_wait3A_1268 = arith.constant 0 : i32
      %dma_wait3A_1269 = tpu.memref_slice %arg6[%mul3A_2, %dma_wait3A_1268] : memref<16384x128xf32, #tpu.memory_space<hbm>> -> memref<512x128xf32, #tpu.memory_space<hbm>>
      %dma_wait3A_1270 = arith.constant 0 : i32
      %dma_wait3A_1271 = tpu.memref_slice %arg6[%mul3A_2, %dma_wait3A_1270] : memref<16384x128xf32, #tpu.memory_space<hbm>> -> memref<512x128xf32, #tpu.memory_space<hbm>>
      tpu.wait_dma2 semaphore(%run_scoped3A_1263 : memref<!tpu.dma_semaphore, #tpu.memory_space<semaphore_mem>>) src(%arg10 : memref<512x128xf32, #tpu.memory_space<vmem>>) dst(%dma_wait3A_1271 : memref<512x128xf32, #tpu.memory_space<hbm>>)
      tpu.yield
    }) : () -> ()
    %add3A_629 = arith.constant 0 : i32
    %add3A_630 = arith.addi %mul3A_2, %add3A_629 : i32
    %run_scoped3A_631 = arith.constant 0 : i32
    "tpu.region"() ({
      %run_scoped3A_1263 = tpu.sem_alloc : memref<!tpu.dma_semaphore, #tpu.memory_space<semaphore_mem>>
      %dma_start3A_1264 = arith.constant 0 : i32
      %dma_start3A_1265 = tpu.memref_slice %arg8[%run_scoped3A_631, %dma_start3A_1264] : memref<4x128xi32, #tpu.memory_space<vmem>> -> memref<1x128xi32, #tpu.memory_space<vmem>>
      %dma_start3A_1266 = tpu.memref_squeeze %dma_start3A_1265 : memref<1x128xi32, #tpu.memory_space<vmem>> -> memref<128xi32, #tpu.memory_space<vmem>>
      %dma_start3A_1267 = tpu.memref_slice %arg3[%add3A_630] : memref<16384xi32, #tpu.memory_space<hbm>> -> memref<128xi32, #tpu.memory_space<hbm>>
      %dma_start3A_1268 = arith.constant 0 : i32
      %dma_start3A_1269 = tpu.memref_slice %arg8[%run_scoped3A_631, %dma_start3A_1268] : memref<4x128xi32, #tpu.memory_space<vmem>> -> memref<1x128xi32, #tpu.memory_space<vmem>>
      %dma_start3A_1270 = tpu.memref_squeeze %dma_start3A_1269 : memref<1x128xi32, #tpu.memory_space<vmem>> -> memref<128xi32, #tpu.memory_space<vmem>>
      %dma_start3A_1271 = tpu.memref_slice %arg3[%add3A_630] : memref<16384xi32, #tpu.memory_space<hbm>> -> memref<128xi32, #tpu.memory_space<hbm>>
      tpu.enqueue_dma source(%dma_start3A_1271 : memref<128xi32, #tpu.memory_space<hbm>>) target(%dma_start3A_1270 : memref<128xi32, #tpu.memory_space<vmem>>) target_semaphore(%run_scoped3A_1263 : memref<!tpu.dma_semaphore, #tpu.memory_space<semaphore_mem>>)
      %dma_wait3A_1272 = arith.constant 0 : i32
      %dma_wait3A_1273 = tpu.memref_slice %arg8[%run_scoped3A_631, %dma_wait3A_1272] : memref<4x128xi32, #tpu.memory_space<vmem>> -> memref<1x128xi32, #tpu.memory_space<vmem>>
      %dma_wait3A_1274 = tpu.memref_squeeze %dma_wait3A_1273 : memref<1x128xi32, #tpu.memory_space<vmem>> -> memref<128xi32, #tpu.memory_space<vmem>>
      %dma_wait3A_1275 = tpu.memref_slice %arg3[%add3A_630] : memref<16384xi32, #tpu.memory_space<hbm>> -> memref<128xi32, #tpu.memory_space<hbm>>
      %dma_wait3A_1276 = arith.constant 0 : i32
      %dma_wait3A_1277 = tpu.memref_slice %arg8[%run_scoped3A_631, %dma_wait3A_1276] : memref<4x128xi32, #tpu.memory_space<vmem>> -> memref<1x128xi32, #tpu.memory_space<vmem>>
      %dma_wait3A_1278 = tpu.memref_squeeze %dma_wait3A_1277 : memref<1x128xi32, #tpu.memory_space<vmem>> -> memref<128xi32, #tpu.memory_space<vmem>>
      %dma_wait3A_1279 = tpu.memref_slice %arg3[%add3A_630] : memref<16384xi32, #tpu.memory_space<hbm>> -> memref<128xi32, #tpu.memory_space<hbm>>
      tpu.wait_dma2 semaphore(%run_scoped3A_1263 : memref<!tpu.dma_semaphore, #tpu.memory_space<semaphore_mem>>) src(%dma_wait3A_1279 : memref<128xi32, #tpu.memory_space<hbm>>) dst(%dma_wait3A_1278 : memref<128xi32, #tpu.memory_space<vmem>>)
      tpu.yield
    }) : () -> ()
    %add3A_632 = arith.constant 128 : i32
    %add3A_633 = arith.addi %mul3A_2, %add3A_632 : i32
    %run_scoped3A_634 = arith.constant 1 : i32
    "tpu.region"() ({
      %run_scoped3A_1263 = tpu.sem_alloc : memref<!tpu.dma_semaphore, #tpu.memory_space<semaphore_mem>>
      %dma_start3A_1264 = arith.constant 0 : i32
      %dma_start3A_1265 = tpu.memref_slice %arg8[%run_scoped3A_634, %dma_start3A_1264] : memref<4x128xi32, #tpu.memory_space<vmem>> -> memref<1x128xi32, #tpu.memory_space<vmem>>
      %dma_start3A_1266 = tpu.memref_squeeze %dma_start3A_1265 : memref<1x128xi32, #tpu.memory_space<vmem>> -> memref<128xi32, #tpu.memory_space<vmem>>
      %dma_start3A_1267 = tpu.memref_slice %arg3[%add3A_633] : memref<16384xi32, #tpu.memory_space<hbm>> -> memref<128xi32, #tpu.memory_space<hbm>>
      %dma_start3A_1268 = arith.constant 0 : i32
      %dma_start3A_1269 = tpu.memref_slice %arg8[%run_scoped3A_634, %dma_start3A_1268] : memref<4x128xi32, #tpu.memory_space<vmem>> -> memref<1x128xi32, #tpu.memory_space<vmem>>
      %dma_start3A_1270 = tpu.memref_squeeze %dma_start3A_1269 : memref<1x128xi32, #tpu.memory_space<vmem>> -> memref<128xi32, #tpu.memory_space<vmem>>
      %dma_start3A_1271 = tpu.memref_slice %arg3[%add3A_633] : memref<16384xi32, #tpu.memory_space<hbm>> -> memref<128xi32, #tpu.memory_space<hbm>>
      tpu.enqueue_dma source(%dma_start3A_1271 : memref<128xi32, #tpu.memory_space<hbm>>) target(%dma_start3A_1270 : memref<128xi32, #tpu.memory_space<vmem>>) target_semaphore(%run_scoped3A_1263 : memref<!tpu.dma_semaphore, #tpu.memory_space<semaphore_mem>>)
      %dma_wait3A_1272 = arith.constant 0 : i32
      %dma_wait3A_1273 = tpu.memref_slice %arg8[%run_scoped3A_634, %dma_wait3A_1272] : memref<4x128xi32, #tpu.memory_space<vmem>> -> memref<1x128xi32, #tpu.memory_space<vmem>>
      %dma_wait3A_1274 = tpu.memref_squeeze %dma_wait3A_1273 : memref<1x128xi32, #tpu.memory_space<vmem>> -> memref<128xi32, #tpu.memory_space<vmem>>
      %dma_wait3A_1275 = tpu.memref_slice %arg3[%add3A_633] : memref<16384xi32, #tpu.memory_space<hbm>> -> memref<128xi32, #tpu.memory_space<hbm>>
      %dma_wait3A_1276 = arith.constant 0 : i32
      %dma_wait3A_1277 = tpu.memref_slice %arg8[%run_scoped3A_634, %dma_wait3A_1276] : memref<4x128xi32, #tpu.memory_space<vmem>> -> memref<1x128xi32, #tpu.memory_space<vmem>>
      %dma_wait3A_1278 = tpu.memref_squeeze %dma_wait3A_1277 : memref<1x128xi32, #tpu.memory_space<vmem>> -> memref<128xi32, #tpu.memory_space<vmem>>
      %dma_wait3A_1279 = tpu.memref_slice %arg3[%add3A_633] : memref<16384xi32, #tpu.memory_space<hbm>> -> memref<128xi32, #tpu.memory_space<hbm>>
      tpu.wait_dma2 semaphore(%run_scoped3A_1263 : memref<!tpu.dma_semaphore, #tpu.memory_space<semaphore_mem>>) src(%dma_wait3A_1279 : memref<128xi32, #tpu.memory_space<hbm>>) dst(%dma_wait3A_1278 : memref<128xi32, #tpu.memory_space<vmem>>)
      tpu.yield
    }) : () -> ()
    %add3A_635 = arith.constant 256 : i32
    %add3A_636 = arith.addi %mul3A_2, %add3A_635 : i32
    %run_scoped3A_637 = arith.constant 2 : i32
    "tpu.region"() ({
      %run_scoped3A_1263 = tpu.sem_alloc : memref<!tpu.dma_semaphore, #tpu.memory_space<semaphore_mem>>
      %dma_start3A_1264 = arith.constant 0 : i32
      %dma_start3A_1265 = tpu.memref_slice %arg8[%run_scoped3A_637, %dma_start3A_1264] : memref<4x128xi32, #tpu.memory_space<vmem>> -> memref<1x128xi32, #tpu.memory_space<vmem>>
      %dma_start3A_1266 = tpu.memref_squeeze %dma_start3A_1265 : memref<1x128xi32, #tpu.memory_space<vmem>> -> memref<128xi32, #tpu.memory_space<vmem>>
      %dma_start3A_1267 = tpu.memref_slice %arg3[%add3A_636] : memref<16384xi32, #tpu.memory_space<hbm>> -> memref<128xi32, #tpu.memory_space<hbm>>
      %dma_start3A_1268 = arith.constant 0 : i32
      %dma_start3A_1269 = tpu.memref_slice %arg8[%run_scoped3A_637, %dma_start3A_1268] : memref<4x128xi32, #tpu.memory_space<vmem>> -> memref<1x128xi32, #tpu.memory_space<vmem>>
      %dma_start3A_1270 = tpu.memref_squeeze %dma_start3A_1269 : memref<1x128xi32, #tpu.memory_space<vmem>> -> memref<128xi32, #tpu.memory_space<vmem>>
      %dma_start3A_1271 = tpu.memref_slice %arg3[%add3A_636] : memref<16384xi32, #tpu.memory_space<hbm>> -> memref<128xi32, #tpu.memory_space<hbm>>
      tpu.enqueue_dma source(%dma_start3A_1271 : memref<128xi32, #tpu.memory_space<hbm>>) target(%dma_start3A_1270 : memref<128xi32, #tpu.memory_space<vmem>>) target_semaphore(%run_scoped3A_1263 : memref<!tpu.dma_semaphore, #tpu.memory_space<semaphore_mem>>)
      %dma_wait3A_1272 = arith.constant 0 : i32
      %dma_wait3A_1273 = tpu.memref_slice %arg8[%run_scoped3A_637, %dma_wait3A_1272] : memref<4x128xi32, #tpu.memory_space<vmem>> -> memref<1x128xi32, #tpu.memory_space<vmem>>
      %dma_wait3A_1274 = tpu.memref_squeeze %dma_wait3A_1273 : memref<1x128xi32, #tpu.memory_space<vmem>> -> memref<128xi32, #tpu.memory_space<vmem>>
      %dma_wait3A_1275 = tpu.memref_slice %arg3[%add3A_636] : memref<16384xi32, #tpu.memory_space<hbm>> -> memref<128xi32, #tpu.memory_space<hbm>>
      %dma_wait3A_1276 = arith.constant 0 : i32
      %dma_wait3A_1277 = tpu.memref_slice %arg8[%run_scoped3A_637, %dma_wait3A_1276] : memref<4x128xi32, #tpu.memory_space<vmem>> -> memref<1x128xi32, #tpu.memory_space<vmem>>
      %dma_wait3A_1278 = tpu.memref_squeeze %dma_wait3A_1277 : memref<1x128xi32, #tpu.memory_space<vmem>> -> memref<128xi32, #tpu.memory_space<vmem>>
      %dma_wait3A_1279 = tpu.memref_slice %arg3[%add3A_636] : memref<16384xi32, #tpu.memory_space<hbm>> -> memref<128xi32, #tpu.memory_space<hbm>>
      tpu.wait_dma2 semaphore(%run_scoped3A_1263 : memref<!tpu.dma_semaphore, #tpu.memory_space<semaphore_mem>>) src(%dma_wait3A_1279 : memref<128xi32, #tpu.memory_space<hbm>>) dst(%dma_wait3A_1278 : memref<128xi32, #tpu.memory_space<vmem>>)
      tpu.yield
    }) : () -> ()
    %add3A_638 = arith.constant 384 : i32
    %add3A_639 = arith.addi %mul3A_2, %add3A_638 : i32
    %run_scoped3A_640 = arith.constant 3 : i32
    "tpu.region"() ({
      %run_scoped3A_1263 = tpu.sem_alloc : memref<!tpu.dma_semaphore, #tpu.memory_space<semaphore_mem>>
      %dma_start3A_1264 = arith.constant 0 : i32
      %dma_start3A_1265 = tpu.memref_slice %arg8[%run_scoped3A_640, %dma_start3A_1264] : memref<4x128xi32, #tpu.memory_space<vmem>> -> memref<1x128xi32, #tpu.memory_space<vmem>>
      %dma_start3A_1266 = tpu.memref_squeeze %dma_start3A_1265 : memref<1x128xi32, #tpu.memory_space<vmem>> -> memref<128xi32, #tpu.memory_space<vmem>>
      %dma_start3A_1267 = tpu.memref_slice %arg3[%add3A_639] : memref<16384xi32, #tpu.memory_space<hbm>> -> memref<128xi32, #tpu.memory_space<hbm>>
      %dma_start3A_1268 = arith.constant 0 : i32
      %dma_start3A_1269 = tpu.memref_slice %arg8[%run_scoped3A_640, %dma_start3A_1268] : memref<4x128xi32, #tpu.memory_space<vmem>> -> memref<1x128xi32, #tpu.memory_space<vmem>>
      %dma_start3A_1270 = tpu.memref_squeeze %dma_start3A_1269 : memref<1x128xi32, #tpu.memory_space<vmem>> -> memref<128xi32, #tpu.memory_space<vmem>>
      %dma_start3A_1271 = tpu.memref_slice %arg3[%add3A_639] : memref<16384xi32, #tpu.memory_space<hbm>> -> memref<128xi32, #tpu.memory_space<hbm>>
      tpu.enqueue_dma source(%dma_start3A_1271 : memref<128xi32, #tpu.memory_space<hbm>>) target(%dma_start3A_1270 : memref<128xi32, #tpu.memory_space<vmem>>) target_semaphore(%run_scoped3A_1263 : memref<!tpu.dma_semaphore, #tpu.memory_space<semaphore_mem>>)
      %dma_wait3A_1272 = arith.constant 0 : i32
      %dma_wait3A_1273 = tpu.memref_slice %arg8[%run_scoped3A_640, %dma_wait3A_1272] : memref<4x128xi32, #tpu.memory_space<vmem>> -> memref<1x128xi32, #tpu.memory_space<vmem>>
      %dma_wait3A_1274 = tpu.memref_squeeze %dma_wait3A_1273 : memref<1x128xi32, #tpu.memory_space<vmem>> -> memref<128xi32, #tpu.memory_space<vmem>>
      %dma_wait3A_1275 = tpu.memref_slice %arg3[%add3A_639] : memref<16384xi32, #tpu.memory_space<hbm>> -> memref<128xi32, #tpu.memory_space<hbm>>
      %dma_wait3A_1276 = arith.constant 0 : i32
      %dma_wait3A_1277 = tpu.memref_slice %arg8[%run_scoped3A_640, %dma_wait3A_1276] : memref<4x128xi32, #tpu.memory_space<vmem>> -> memref<1x128xi32, #tpu.memory_space<vmem>>
      %dma_wait3A_1278 = tpu.memref_squeeze %dma_wait3A_1277 : memref<1x128xi32, #tpu.memory_space<vmem>> -> memref<128xi32, #tpu.memory_space<vmem>>
      %dma_wait3A_1279 = tpu.memref_slice %arg3[%add3A_639] : memref<16384xi32, #tpu.memory_space<hbm>> -> memref<128xi32, #tpu.memory_space<hbm>>
      tpu.wait_dma2 semaphore(%run_scoped3A_1263 : memref<!tpu.dma_semaphore, #tpu.memory_space<semaphore_mem>>) src(%dma_wait3A_1279 : memref<128xi32, #tpu.memory_space<hbm>>) dst(%dma_wait3A_1278 : memref<128xi32, #tpu.memory_space<vmem>>)
      tpu.yield
    }) : () -> ()
    %get3A_641 = arith.constant 0 : i32
    %get3A_642 = arith.index_cast %get3A_641 : i32 to index
    %get3A_643 = arith.constant 0 : index
    %get3A_644 = tpu.vector_load %arg8[%get3A_642, %get3A_643] {strides = array<i32>} : memref<4x128xi32, #tpu.memory_space<vmem>>, vector<1x16xi32>,
    %get3A_645 = vector.shape_cast %get3A_644 : vector<1x16xi32> to vector<16xi32>
    %lt3A_646 = arith.constant 501760 : i32
    %lt3A_647 = vector.broadcast %lt3A_646 : i32 to vector<16xi32>
    %lt3A_648 = arith.cmpi slt, %get3A_645, %lt3A_647 : vector<16xi32>
    %sub3A_649 = arith.constant 501760 : i32
    %sub3A_650 = vector.broadcast %sub3A_649 : i32 to vector<16xi32>
    %sub3A_651 = arith.subi %get3A_645, %sub3A_650 : vector<16xi32>
    %select_n3A_652 = arith.select %lt3A_648, %get3A_645, %sub3A_651 : vector<16xi1>, vector<16xi32>
    %swap3A_653 = arith.constant 0 : i32
    %swap3A_654 = arith.index_cast %swap3A_653 : i32 to index
    %swap3A_655 = arith.constant 0 : index
    %swap3A_656 = tpu.vector_load %arg9[%swap3A_654, %swap3A_655] {strides = array<i32>} : memref<4x128xi32, #tpu.memory_space<vmem>>, vector<1x16xi32>,
    %swap3A_657 = vector.shape_cast %swap3A_656 : vector<1x16xi32> to vector<16xi32>
    %swap3A_658 = vector.shape_cast %select_n3A_652 : vector<16xi32> to vector<1x16xi32>
    tpu.vector_store %arg9[%swap3A_654, %swap3A_655], %swap3A_658 {strides = array<i32>} : memref<4x128xi32, #tpu.memory_space<vmem>>, vector<1x16xi32>,
    %get3A_659 = arith.constant 0 : i32
    %get3A_660 = arith.index_cast %get3A_659 : i32 to index
    %get3A_661 = arith.constant 16 : index
    %get3A_662 = tpu.vector_load %arg8[%get3A_660, %get3A_661] {strides = array<i32>} : memref<4x128xi32, #tpu.memory_space<vmem>>, vector<1x16xi32>,
    %get3A_663 = vector.shape_cast %get3A_662 : vector<1x16xi32> to vector<16xi32>
    %lt3A_664 = arith.constant 501760 : i32
    %lt3A_665 = vector.broadcast %lt3A_664 : i32 to vector<16xi32>
    %lt3A_666 = arith.cmpi slt, %get3A_663, %lt3A_665 : vector<16xi32>
    %sub3A_667 = arith.constant 501760 : i32
    %sub3A_668 = vector.broadcast %sub3A_667 : i32 to vector<16xi32>
    %sub3A_669 = arith.subi %get3A_663, %sub3A_668 : vector<16xi32>
    %select_n3A_670 = arith.select %lt3A_666, %get3A_663, %sub3A_669 : vector<16xi1>, vector<16xi32>
    %swap3A_671 = arith.constant 0 : i32
    %swap3A_672 = arith.index_cast %swap3A_671 : i32 to index
    %swap3A_673 = arith.constant 16 : index
    %swap3A_674 = tpu.vector_load %arg9[%swap3A_672, %swap3A_673] {strides = array<i32>} : memref<4x128xi32, #tpu.memory_space<vmem>>, vector<1x16xi32>,
    %swap3A_675 = vector.shape_cast %swap3A_674 : vector<1x16xi32> to vector<16xi32>
    %swap3A_676 = vector.shape_cast %select_n3A_670 : vector<16xi32> to vector<1x16xi32>
    tpu.vector_store %arg9[%swap3A_672, %swap3A_673], %swap3A_676 {strides = array<i32>} : memref<4x128xi32, #tpu.memory_space<vmem>>, vector<1x16xi32>,
    %get3A_677 = arith.constant 0 : i32
    %get3A_678 = arith.index_cast %get3A_677 : i32 to index
    %get3A_679 = arith.constant 32 : index
    %get3A_680 = tpu.vector_load %arg8[%get3A_678, %get3A_679] {strides = array<i32>} : memref<4x128xi32, #tpu.memory_space<vmem>>, vector<1x16xi32>,
    %get3A_681 = vector.shape_cast %get3A_680 : vector<1x16xi32> to vector<16xi32>
    %lt3A_682 = arith.constant 501760 : i32
    %lt3A_683 = vector.broadcast %lt3A_682 : i32 to vector<16xi32>
    %lt3A_684 = arith.cmpi slt, %get3A_681, %lt3A_683 : vector<16xi32>
    %sub3A_685 = arith.constant 501760 : i32
    %sub3A_686 = vector.broadcast %sub3A_685 : i32 to vector<16xi32>
    %sub3A_687 = arith.subi %get3A_681, %sub3A_686 : vector<16xi32>
    %select_n3A_688 = arith.select %lt3A_684, %get3A_681, %sub3A_687 : vector<16xi1>, vector<16xi32>
    %swap3A_689 = arith.constant 0 : i32
    %swap3A_690 = arith.index_cast %swap3A_689 : i32 to index
    %swap3A_691 = arith.constant 32 : index
    %swap3A_692 = tpu.vector_load %arg9[%swap3A_690, %swap3A_691] {strides = array<i32>} : memref<4x128xi32, #tpu.memory_space<vmem>>, vector<1x16xi32>,
    %swap3A_693 = vector.shape_cast %swap3A_692 : vector<1x16xi32> to vector<16xi32>
    %swap3A_694 = vector.shape_cast %select_n3A_688 : vector<16xi32> to vector<1x16xi32>
    tpu.vector_store %arg9[%swap3A_690, %swap3A_691], %swap3A_694 {strides = array<i32>} : memref<4x128xi32, #tpu.memory_space<vmem>>, vector<1x16xi32>,
    %get3A_695 = arith.constant 0 : i32
    %get3A_696 = arith.index_cast %get3A_695 : i32 to index
    %get3A_697 = arith.constant 48 : index
    %get3A_698 = tpu.vector_load %arg8[%get3A_696, %get3A_697] {strides = array<i32>} : memref<4x128xi32, #tpu.memory_space<vmem>>, vector<1x16xi32>,
    %get3A_699 = vector.shape_cast %get3A_698 : vector<1x16xi32> to vector<16xi32>
    %lt3A_700 = arith.constant 501760 : i32
    %lt3A_701 = vector.broadcast %lt3A_700 : i32 to vector<16xi32>
    %lt3A_702 = arith.cmpi slt, %get3A_699, %lt3A_701 : vector<16xi32>
    %sub3A_703 = arith.constant 501760 : i32
    %sub3A_704 = vector.broadcast %sub3A_703 : i32 to vector<16xi32>
    %sub3A_705 = arith.subi %get3A_699, %sub3A_704 : vector<16xi32>
    %select_n3A_706 = arith.select %lt3A_702, %get3A_699, %sub3A_705 : vector<16xi1>, vector<16xi32>
    %swap3A_707 = arith.constant 0 : i32
    %swap3A_708 = arith.index_cast %swap3A_707 : i32 to index
    %swap3A_709 = arith.constant 48 : index
    %swap3A_710 = tpu.vector_load %arg9[%swap3A_708, %swap3A_709] {strides = array<i32>} : memref<4x128xi32, #tpu.memory_space<vmem>>, vector<1x16xi32>,
    %swap3A_711 = vector.shape_cast %swap3A_710 : vector<1x16xi32> to vector<16xi32>
    %swap3A_712 = vector.shape_cast %select_n3A_706 : vector<16xi32> to vector<1x16xi32>
    tpu.vector_store %arg9[%swap3A_708, %swap3A_709], %swap3A_712 {strides = array<i32>} : memref<4x128xi32, #tpu.memory_space<vmem>>, vector<1x16xi32>,
    %get3A_713 = arith.constant 0 : i32
    %get3A_714 = arith.index_cast %get3A_713 : i32 to index
    %get3A_715 = arith.constant 64 : index
    %get3A_716 = tpu.vector_load %arg8[%get3A_714, %get3A_715] {strides = array<i32>} : memref<4x128xi32, #tpu.memory_space<vmem>>, vector<1x16xi32>,
    %get3A_717 = vector.shape_cast %get3A_716 : vector<1x16xi32> to vector<16xi32>
    %lt3A_718 = arith.constant 501760 : i32
    %lt3A_719 = vector.broadcast %lt3A_718 : i32 to vector<16xi32>
    %lt3A_720 = arith.cmpi slt, %get3A_717, %lt3A_719 : vector<16xi32>
    %sub3A_721 = arith.constant 501760 : i32
    %sub3A_722 = vector.broadcast %sub3A_721 : i32 to vector<16xi32>
    %sub3A_723 = arith.subi %get3A_717, %sub3A_722 : vector<16xi32>
    %select_n3A_724 = arith.select %lt3A_720, %get3A_717, %sub3A_723 : vector<16xi1>, vector<16xi32>
    %swap3A_725 = arith.constant 0 : i32
    %swap3A_726 = arith.index_cast %swap3A_725 : i32 to index
    %swap3A_727 = arith.constant 64 : index
    %swap3A_728 = tpu.vector_load %arg9[%swap3A_726, %swap3A_727] {strides = array<i32>} : memref<4x128xi32, #tpu.memory_space<vmem>>, vector<1x16xi32>,
    %swap3A_729 = vector.shape_cast %swap3A_728 : vector<1x16xi32> to vector<16xi32>
    %swap3A_730 = vector.shape_cast %select_n3A_724 : vector<16xi32> to vector<1x16xi32>
    tpu.vector_store %arg9[%swap3A_726, %swap3A_727], %swap3A_730 {strides = array<i32>} : memref<4x128xi32, #tpu.memory_space<vmem>>, vector<1x16xi32>,
    %get3A_731 = arith.constant 0 : i32
    %get3A_732 = arith.index_cast %get3A_731 : i32 to index
    %get3A_733 = arith.constant 80 : index
    %get3A_734 = tpu.vector_load %arg8[%get3A_732, %get3A_733] {strides = array<i32>} : memref<4x128xi32, #tpu.memory_space<vmem>>, vector<1x16xi32>,
    %get3A_735 = vector.shape_cast %get3A_734 : vector<1x16xi32> to vector<16xi32>
    %lt3A_736 = arith.constant 501760 : i32
    %lt3A_737 = vector.broadcast %lt3A_736 : i32 to vector<16xi32>
    %lt3A_738 = arith.cmpi slt, %get3A_735, %lt3A_737 : vector<16xi32>
    %sub3A_739 = arith.constant 501760 : i32
    %sub3A_740 = vector.broadcast %sub3A_739 : i32 to vector<16xi32>
    %sub3A_741 = arith.subi %get3A_735, %sub3A_740 : vector<16xi32>
    %select_n3A_742 = arith.select %lt3A_738, %get3A_735, %sub3A_741 : vector<16xi1>, vector<16xi32>
    %swap3A_743 = arith.constant 0 : i32
    %swap3A_744 = arith.index_cast %swap3A_743 : i32 to index
    %swap3A_745 = arith.constant 80 : index
    %swap3A_746 = tpu.vector_load %arg9[%swap3A_744, %swap3A_745] {strides = array<i32>} : memref<4x128xi32, #tpu.memory_space<vmem>>, vector<1x16xi32>,
    %swap3A_747 = vector.shape_cast %swap3A_746 : vector<1x16xi32> to vector<16xi32>
    %swap3A_748 = vector.shape_cast %select_n3A_742 : vector<16xi32> to vector<1x16xi32>
    tpu.vector_store %arg9[%swap3A_744, %swap3A_745], %swap3A_748 {strides = array<i32>} : memref<4x128xi32, #tpu.memory_space<vmem>>, vector<1x16xi32>,
    %get3A_749 = arith.constant 0 : i32
    %get3A_750 = arith.index_cast %get3A_749 : i32 to index
    %get3A_751 = arith.constant 96 : index
    %get3A_752 = tpu.vector_load %arg8[%get3A_750, %get3A_751] {strides = array<i32>} : memref<4x128xi32, #tpu.memory_space<vmem>>, vector<1x16xi32>,
    %get3A_753 = vector.shape_cast %get3A_752 : vector<1x16xi32> to vector<16xi32>
    %lt3A_754 = arith.constant 501760 : i32
    %lt3A_755 = vector.broadcast %lt3A_754 : i32 to vector<16xi32>
    %lt3A_756 = arith.cmpi slt, %get3A_753, %lt3A_755 : vector<16xi32>
    %sub3A_757 = arith.constant 501760 : i32
    %sub3A_758 = vector.broadcast %sub3A_757 : i32 to vector<16xi32>
    %sub3A_759 = arith.subi %get3A_753, %sub3A_758 : vector<16xi32>
    %select_n3A_760 = arith.select %lt3A_756, %get3A_753, %sub3A_759 : vector<16xi1>, vector<16xi32>
    %swap3A_761 = arith.constant 0 : i32
    %swap3A_762 = arith.index_cast %swap3A_761 : i32 to index
    %swap3A_763 = arith.constant 96 : index
    %swap3A_764 = tpu.vector_load %arg9[%swap3A_762, %swap3A_763] {strides = array<i32>} : memref<4x128xi32, #tpu.memory_space<vmem>>, vector<1x16xi32>,
    %swap3A_765 = vector.shape_cast %swap3A_764 : vector<1x16xi32> to vector<16xi32>
    %swap3A_766 = vector.shape_cast %select_n3A_760 : vector<16xi32> to vector<1x16xi32>
    tpu.vector_store %arg9[%swap3A_762, %swap3A_763], %swap3A_766 {strides = array<i32>} : memref<4x128xi32, #tpu.memory_space<vmem>>, vector<1x16xi32>,
    %get3A_767 = arith.constant 0 : i32
    %get3A_768 = arith.index_cast %get3A_767 : i32 to index
    %get3A_769 = arith.constant 112 : index
    %get3A_770 = tpu.vector_load %arg8[%get3A_768, %get3A_769] {strides = array<i32>} : memref<4x128xi32, #tpu.memory_space<vmem>>, vector<1x16xi32>,
    %get3A_771 = vector.shape_cast %get3A_770 : vector<1x16xi32> to vector<16xi32>
    %lt3A_772 = arith.constant 501760 : i32
    %lt3A_773 = vector.broadcast %lt3A_772 : i32 to vector<16xi32>
    %lt3A_774 = arith.cmpi slt, %get3A_771, %lt3A_773 : vector<16xi32>
    %sub3A_775 = arith.constant 501760 : i32
    %sub3A_776 = vector.broadcast %sub3A_775 : i32 to vector<16xi32>
    %sub3A_777 = arith.subi %get3A_771, %sub3A_776 : vector<16xi32>
    %select_n3A_778 = arith.select %lt3A_774, %get3A_771, %sub3A_777 : vector<16xi1>, vector<16xi32>
    %swap3A_779 = arith.constant 0 : i32
    %swap3A_780 = arith.index_cast %swap3A_779 : i32 to index
    %swap3A_781 = arith.constant 112 : index
    %swap3A_782 = tpu.vector_load %arg9[%swap3A_780, %swap3A_781] {strides = array<i32>} : memref<4x128xi32, #tpu.memory_space<vmem>>, vector<1x16xi32>,
    %swap3A_783 = vector.shape_cast %swap3A_782 : vector<1x16xi32> to vector<16xi32>
    %swap3A_784 = vector.shape_cast %select_n3A_778 : vector<16xi32> to vector<1x16xi32>
    tpu.vector_store %arg9[%swap3A_780, %swap3A_781], %swap3A_784 {strides = array<i32>} : memref<4x128xi32, #tpu.memory_space<vmem>>, vector<1x16xi32>,
    %get3A_785 = arith.constant 1 : i32
    %get3A_786 = arith.index_cast %get3A_785 : i32 to index
    %get3A_787 = arith.constant 0 : index
    %get3A_788 = tpu.vector_load %arg8[%get3A_786, %get3A_787] {strides = array<i32>} : memref<4x128xi32, #tpu.memory_space<vmem>>, vector<1x16xi32>,
    %get3A_789 = vector.shape_cast %get3A_788 : vector<1x16xi32> to vector<16xi32>
    %lt3A_790 = arith.constant 501760 : i32
    %lt3A_791 = vector.broadcast %lt3A_790 : i32 to vector<16xi32>
    %lt3A_792 = arith.cmpi slt, %get3A_789, %lt3A_791 : vector<16xi32>
    %sub3A_793 = arith.constant 501760 : i32
    %sub3A_794 = vector.broadcast %sub3A_793 : i32 to vector<16xi32>
    %sub3A_795 = arith.subi %get3A_789, %sub3A_794 : vector<16xi32>
    %select_n3A_796 = arith.select %lt3A_792, %get3A_789, %sub3A_795 : vector<16xi1>, vector<16xi32>
    %swap3A_797 = arith.constant 1 : i32
    %swap3A_798 = arith.index_cast %swap3A_797 : i32 to index
    %swap3A_799 = arith.constant 0 : index
    %swap3A_800 = tpu.vector_load %arg9[%swap3A_798, %swap3A_799] {strides = array<i32>} : memref<4x128xi32, #tpu.memory_space<vmem>>, vector<1x16xi32>,
    %swap3A_801 = vector.shape_cast %swap3A_800 : vector<1x16xi32> to vector<16xi32>
    %swap3A_802 = vector.shape_cast %select_n3A_796 : vector<16xi32> to vector<1x16xi32>
    tpu.vector_store %arg9[%swap3A_798, %swap3A_799], %swap3A_802 {strides = array<i32>} : memref<4x128xi32, #tpu.memory_space<vmem>>, vector<1x16xi32>,
    %get3A_803 = arith.constant 1 : i32
    %get3A_804 = arith.index_cast %get3A_803 : i32 to index
    %get3A_805 = arith.constant 16 : index
    %get3A_806 = tpu.vector_load %arg8[%get3A_804, %get3A_805] {strides = array<i32>} : memref<4x128xi32, #tpu.memory_space<vmem>>, vector<1x16xi32>,
    %get3A_807 = vector.shape_cast %get3A_806 : vector<1x16xi32> to vector<16xi32>
    %lt3A_808 = arith.constant 501760 : i32
    %lt3A_809 = vector.broadcast %lt3A_808 : i32 to vector<16xi32>
    %lt3A_810 = arith.cmpi slt, %get3A_807, %lt3A_809 : vector<16xi32>
    %sub3A_811 = arith.constant 501760 : i32
    %sub3A_812 = vector.broadcast %sub3A_811 : i32 to vector<16xi32>
    %sub3A_813 = arith.subi %get3A_807, %sub3A_812 : vector<16xi32>
    %select_n3A_814 = arith.select %lt3A_810, %get3A_807, %sub3A_813 : vector<16xi1>, vector<16xi32>
    %swap3A_815 = arith.constant 1 : i32
    %swap3A_816 = arith.index_cast %swap3A_815 : i32 to index
    %swap3A_817 = arith.constant 16 : index
    %swap3A_818 = tpu.vector_load %arg9[%swap3A_816, %swap3A_817] {strides = array<i32>} : memref<4x128xi32, #tpu.memory_space<vmem>>, vector<1x16xi32>,
    %swap3A_819 = vector.shape_cast %swap3A_818 : vector<1x16xi32> to vector<16xi32>
    %swap3A_820 = vector.shape_cast %select_n3A_814 : vector<16xi32> to vector<1x16xi32>
    tpu.vector_store %arg9[%swap3A_816, %swap3A_817], %swap3A_820 {strides = array<i32>} : memref<4x128xi32, #tpu.memory_space<vmem>>, vector<1x16xi32>,
    %get3A_821 = arith.constant 1 : i32
    %get3A_822 = arith.index_cast %get3A_821 : i32 to index
    %get3A_823 = arith.constant 32 : index
    %get3A_824 = tpu.vector_load %arg8[%get3A_822, %get3A_823] {strides = array<i32>} : memref<4x128xi32, #tpu.memory_space<vmem>>, vector<1x16xi32>,
    %get3A_825 = vector.shape_cast %get3A_824 : vector<1x16xi32> to vector<16xi32>
    %lt3A_826 = arith.constant 501760 : i32
    %lt3A_827 = vector.broadcast %lt3A_826 : i32 to vector<16xi32>
    %lt3A_828 = arith.cmpi slt, %get3A_825, %lt3A_827 : vector<16xi32>
    %sub3A_829 = arith.constant 501760 : i32
    %sub3A_830 = vector.broadcast %sub3A_829 : i32 to vector<16xi32>
    %sub3A_831 = arith.subi %get3A_825, %sub3A_830 : vector<16xi32>
    %select_n3A_832 = arith.select %lt3A_828, %get3A_825, %sub3A_831 : vector<16xi1>, vector<16xi32>
    %swap3A_833 = arith.constant 1 : i32
    %swap3A_834 = arith.index_cast %swap3A_833 : i32 to index
    %swap3A_835 = arith.constant 32 : index
    %swap3A_836 = tpu.vector_load %arg9[%swap3A_834, %swap3A_835] {strides = array<i32>} : memref<4x128xi32, #tpu.memory_space<vmem>>, vector<1x16xi32>,
    %swap3A_837 = vector.shape_cast %swap3A_836 : vector<1x16xi32> to vector<16xi32>
    %swap3A_838 = vector.shape_cast %select_n3A_832 : vector<16xi32> to vector<1x16xi32>
    tpu.vector_store %arg9[%swap3A_834, %swap3A_835], %swap3A_838 {strides = array<i32>} : memref<4x128xi32, #tpu.memory_space<vmem>>, vector<1x16xi32>,
    %get3A_839 = arith.constant 1 : i32
    %get3A_840 = arith.index_cast %get3A_839 : i32 to index
    %get3A_841 = arith.constant 48 : index
    %get3A_842 = tpu.vector_load %arg8[%get3A_840, %get3A_841] {strides = array<i32>} : memref<4x128xi32, #tpu.memory_space<vmem>>, vector<1x16xi32>,
    %get3A_843 = vector.shape_cast %get3A_842 : vector<1x16xi32> to vector<16xi32>
    %lt3A_844 = arith.constant 501760 : i32
    %lt3A_845 = vector.broadcast %lt3A_844 : i32 to vector<16xi32>
    %lt3A_846 = arith.cmpi slt, %get3A_843, %lt3A_845 : vector<16xi32>
    %sub3A_847 = arith.constant 501760 : i32
    %sub3A_848 = vector.broadcast %sub3A_847 : i32 to vector<16xi32>
    %sub3A_849 = arith.subi %get3A_843, %sub3A_848 : vector<16xi32>
    %select_n3A_850 = arith.select %lt3A_846, %get3A_843, %sub3A_849 : vector<16xi1>, vector<16xi32>
    %swap3A_851 = arith.constant 1 : i32
    %swap3A_852 = arith.index_cast %swap3A_851 : i32 to index
    %swap3A_853 = arith.constant 48 : index
    %swap3A_854 = tpu.vector_load %arg9[%swap3A_852, %swap3A_853] {strides = array<i32>} : memref<4x128xi32, #tpu.memory_space<vmem>>, vector<1x16xi32>,
    %swap3A_855 = vector.shape_cast %swap3A_854 : vector<1x16xi32> to vector<16xi32>
    %swap3A_856 = vector.shape_cast %select_n3A_850 : vector<16xi32> to vector<1x16xi32>
    tpu.vector_store %arg9[%swap3A_852, %swap3A_853], %swap3A_856 {strides = array<i32>} : memref<4x128xi32, #tpu.memory_space<vmem>>, vector<1x16xi32>,
    %get3A_857 = arith.constant 1 : i32
    %get3A_858 = arith.index_cast %get3A_857 : i32 to index
    %get3A_859 = arith.constant 64 : index
    %get3A_860 = tpu.vector_load %arg8[%get3A_858, %get3A_859] {strides = array<i32>} : memref<4x128xi32, #tpu.memory_space<vmem>>, vector<1x16xi32>,
    %get3A_861 = vector.shape_cast %get3A_860 : vector<1x16xi32> to vector<16xi32>
    %lt3A_862 = arith.constant 501760 : i32
    %lt3A_863 = vector.broadcast %lt3A_862 : i32 to vector<16xi32>
    %lt3A_864 = arith.cmpi slt, %get3A_861, %lt3A_863 : vector<16xi32>
    %sub3A_865 = arith.constant 501760 : i32
    %sub3A_866 = vector.broadcast %sub3A_865 : i32 to vector<16xi32>
    %sub3A_867 = arith.subi %get3A_861, %sub3A_866 : vector<16xi32>
    %select_n3A_868 = arith.select %lt3A_864, %get3A_861, %sub3A_867 : vector<16xi1>, vector<16xi32>
    %swap3A_869 = arith.constant 1 : i32
    %swap3A_870 = arith.index_cast %swap3A_869 : i32 to index
    %swap3A_871 = arith.constant 64 : index
    %swap3A_872 = tpu.vector_load %arg9[%swap3A_870, %swap3A_871] {strides = array<i32>} : memref<4x128xi32, #tpu.memory_space<vmem>>, vector<1x16xi32>,
    %swap3A_873 = vector.shape_cast %swap3A_872 : vector<1x16xi32> to vector<16xi32>
    %swap3A_874 = vector.shape_cast %select_n3A_868 : vector<16xi32> to vector<1x16xi32>
    tpu.vector_store %arg9[%swap3A_870, %swap3A_871], %swap3A_874 {strides = array<i32>} : memref<4x128xi32, #tpu.memory_space<vmem>>, vector<1x16xi32>,
    %get3A_875 = arith.constant 1 : i32
    %get3A_876 = arith.index_cast %get3A_875 : i32 to index
    %get3A_877 = arith.constant 80 : index
    %get3A_878 = tpu.vector_load %arg8[%get3A_876, %get3A_877] {strides = array<i32>} : memref<4x128xi32, #tpu.memory_space<vmem>>, vector<1x16xi32>,
    %get3A_879 = vector.shape_cast %get3A_878 : vector<1x16xi32> to vector<16xi32>
    %lt3A_880 = arith.constant 501760 : i32
    %lt3A_881 = vector.broadcast %lt3A_880 : i32 to vector<16xi32>
    %lt3A_882 = arith.cmpi slt, %get3A_879, %lt3A_881 : vector<16xi32>
    %sub3A_883 = arith.constant 501760 : i32
    %sub3A_884 = vector.broadcast %sub3A_883 : i32 to vector<16xi32>
    %sub3A_885 = arith.subi %get3A_879, %sub3A_884 : vector<16xi32>
    %select_n3A_886 = arith.select %lt3A_882, %get3A_879, %sub3A_885 : vector<16xi1>, vector<16xi32>
    %swap3A_887 = arith.constant 1 : i32
    %swap3A_888 = arith.index_cast %swap3A_887 : i32 to index
    %swap3A_889 = arith.constant 80 : index
    %swap3A_890 = tpu.vector_load %arg9[%swap3A_888, %swap3A_889] {strides = array<i32>} : memref<4x128xi32, #tpu.memory_space<vmem>>, vector<1x16xi32>,
    %swap3A_891 = vector.shape_cast %swap3A_890 : vector<1x16xi32> to vector<16xi32>
    %swap3A_892 = vector.shape_cast %select_n3A_886 : vector<16xi32> to vector<1x16xi32>
    tpu.vector_store %arg9[%swap3A_888, %swap3A_889], %swap3A_892 {strides = array<i32>} : memref<4x128xi32, #tpu.memory_space<vmem>>, vector<1x16xi32>,
    %get3A_893 = arith.constant 1 : i32
    %get3A_894 = arith.index_cast %get3A_893 : i32 to index
    %get3A_895 = arith.constant 96 : index
    %get3A_896 = tpu.vector_load %arg8[%get3A_894, %get3A_895] {strides = array<i32>} : memref<4x128xi32, #tpu.memory_space<vmem>>, vector<1x16xi32>,
    %get3A_897 = vector.shape_cast %get3A_896 : vector<1x16xi32> to vector<16xi32>
    %lt3A_898 = arith.constant 501760 : i32
    %lt3A_899 = vector.broadcast %lt3A_898 : i32 to vector<16xi32>
    %lt3A_900 = arith.cmpi slt, %get3A_897, %lt3A_899 : vector<16xi32>
    %sub3A_901 = arith.constant 501760 : i32
    %sub3A_902 = vector.broadcast %sub3A_901 : i32 to vector<16xi32>
    %sub3A_903 = arith.subi %get3A_897, %sub3A_902 : vector<16xi32>
    %select_n3A_904 = arith.select %lt3A_900, %get3A_897, %sub3A_903 : vector<16xi1>, vector<16xi32>
    %swap3A_905 = arith.constant 1 : i32
    %swap3A_906 = arith.index_cast %swap3A_905 : i32 to index
    %swap3A_907 = arith.constant 96 : index
    %swap3A_908 = tpu.vector_load %arg9[%swap3A_906, %swap3A_907] {strides = array<i32>} : memref<4x128xi32, #tpu.memory_space<vmem>>, vector<1x16xi32>,
    %swap3A_909 = vector.shape_cast %swap3A_908 : vector<1x16xi32> to vector<16xi32>
    %swap3A_910 = vector.shape_cast %select_n3A_904 : vector<16xi32> to vector<1x16xi32>
    tpu.vector_store %arg9[%swap3A_906, %swap3A_907], %swap3A_910 {strides = array<i32>} : memref<4x128xi32, #tpu.memory_space<vmem>>, vector<1x16xi32>,
    %get3A_911 = arith.constant 1 : i32
    %get3A_912 = arith.index_cast %get3A_911 : i32 to index
    %get3A_913 = arith.constant 112 : index
    %get3A_914 = tpu.vector_load %arg8[%get3A_912, %get3A_913] {strides = array<i32>} : memref<4x128xi32, #tpu.memory_space<vmem>>, vector<1x16xi32>,
    %get3A_915 = vector.shape_cast %get3A_914 : vector<1x16xi32> to vector<16xi32>
    %lt3A_916 = arith.constant 501760 : i32
    %lt3A_917 = vector.broadcast %lt3A_916 : i32 to vector<16xi32>
    %lt3A_918 = arith.cmpi slt, %get3A_915, %lt3A_917 : vector<16xi32>
    %sub3A_919 = arith.constant 501760 : i32
    %sub3A_920 = vector.broadcast %sub3A_919 : i32 to vector<16xi32>
    %sub3A_921 = arith.subi %get3A_915, %sub3A_920 : vector<16xi32>
    %select_n3A_922 = arith.select %lt3A_918, %get3A_915, %sub3A_921 : vector<16xi1>, vector<16xi32>
    %swap3A_923 = arith.constant 1 : i32
    %swap3A_924 = arith.index_cast %swap3A_923 : i32 to index
    %swap3A_925 = arith.constant 112 : index
    %swap3A_926 = tpu.vector_load %arg9[%swap3A_924, %swap3A_925] {strides = array<i32>} : memref<4x128xi32, #tpu.memory_space<vmem>>, vector<1x16xi32>,
    %swap3A_927 = vector.shape_cast %swap3A_926 : vector<1x16xi32> to vector<16xi32>
    %swap3A_928 = vector.shape_cast %select_n3A_922 : vector<16xi32> to vector<1x16xi32>
    tpu.vector_store %arg9[%swap3A_924, %swap3A_925], %swap3A_928 {strides = array<i32>} : memref<4x128xi32, #tpu.memory_space<vmem>>, vector<1x16xi32>,
    %get3A_929 = arith.constant 2 : i32
    %get3A_930 = arith.index_cast %get3A_929 : i32 to index
    %get3A_931 = arith.constant 0 : index
    %get3A_932 = tpu.vector_load %arg8[%get3A_930, %get3A_931] {strides = array<i32>} : memref<4x128xi32, #tpu.memory_space<vmem>>, vector<1x16xi32>,
    %get3A_933 = vector.shape_cast %get3A_932 : vector<1x16xi32> to vector<16xi32>
    %lt3A_934 = arith.constant 501760 : i32
    %lt3A_935 = vector.broadcast %lt3A_934 : i32 to vector<16xi32>
    %lt3A_936 = arith.cmpi slt, %get3A_933, %lt3A_935 : vector<16xi32>
    %sub3A_937 = arith.constant 501760 : i32
    %sub3A_938 = vector.broadcast %sub3A_937 : i32 to vector<16xi32>
    %sub3A_939 = arith.subi %get3A_933, %sub3A_938 : vector<16xi32>
    %select_n3A_940 = arith.select %lt3A_936, %get3A_933, %sub3A_939 : vector<16xi1>, vector<16xi32>
    %swap3A_941 = arith.constant 2 : i32
    %swap3A_942 = arith.index_cast %swap3A_941 : i32 to index
    %swap3A_943 = arith.constant 0 : index
    %swap3A_944 = tpu.vector_load %arg9[%swap3A_942, %swap3A_943] {strides = array<i32>} : memref<4x128xi32, #tpu.memory_space<vmem>>, vector<1x16xi32>,
    %swap3A_945 = vector.shape_cast %swap3A_944 : vector<1x16xi32> to vector<16xi32>
    %swap3A_946 = vector.shape_cast %select_n3A_940 : vector<16xi32> to vector<1x16xi32>
    tpu.vector_store %arg9[%swap3A_942, %swap3A_943], %swap3A_946 {strides = array<i32>} : memref<4x128xi32, #tpu.memory_space<vmem>>, vector<1x16xi32>,
    %get3A_947 = arith.constant 2 : i32
    %get3A_948 = arith.index_cast %get3A_947 : i32 to index
    %get3A_949 = arith.constant 16 : index
    %get3A_950 = tpu.vector_load %arg8[%get3A_948, %get3A_949] {strides = array<i32>} : memref<4x128xi32, #tpu.memory_space<vmem>>, vector<1x16xi32>,
    %get3A_951 = vector.shape_cast %get3A_950 : vector<1x16xi32> to vector<16xi32>
    %lt3A_952 = arith.constant 501760 : i32
    %lt3A_953 = vector.broadcast %lt3A_952 : i32 to vector<16xi32>
    %lt3A_954 = arith.cmpi slt, %get3A_951, %lt3A_953 : vector<16xi32>
    %sub3A_955 = arith.constant 501760 : i32
    %sub3A_956 = vector.broadcast %sub3A_955 : i32 to vector<16xi32>
    %sub3A_957 = arith.subi %get3A_951, %sub3A_956 : vector<16xi32>
    %select_n3A_958 = arith.select %lt3A_954, %get3A_951, %sub3A_957 : vector<16xi1>, vector<16xi32>
    %swap3A_959 = arith.constant 2 : i32
    %swap3A_960 = arith.index_cast %swap3A_959 : i32 to index
    %swap3A_961 = arith.constant 16 : index
    %swap3A_962 = tpu.vector_load %arg9[%swap3A_960, %swap3A_961] {strides = array<i32>} : memref<4x128xi32, #tpu.memory_space<vmem>>, vector<1x16xi32>,
    %swap3A_963 = vector.shape_cast %swap3A_962 : vector<1x16xi32> to vector<16xi32>
    %swap3A_964 = vector.shape_cast %select_n3A_958 : vector<16xi32> to vector<1x16xi32>
    tpu.vector_store %arg9[%swap3A_960, %swap3A_961], %swap3A_964 {strides = array<i32>} : memref<4x128xi32, #tpu.memory_space<vmem>>, vector<1x16xi32>,
    %get3A_965 = arith.constant 2 : i32
    %get3A_966 = arith.index_cast %get3A_965 : i32 to index
    %get3A_967 = arith.constant 32 : index
    %get3A_968 = tpu.vector_load %arg8[%get3A_966, %get3A_967] {strides = array<i32>} : memref<4x128xi32, #tpu.memory_space<vmem>>, vector<1x16xi32>,
    %get3A_969 = vector.shape_cast %get3A_968 : vector<1x16xi32> to vector<16xi32>
    %lt3A_970 = arith.constant 501760 : i32
    %lt3A_971 = vector.broadcast %lt3A_970 : i32 to vector<16xi32>
    %lt3A_972 = arith.cmpi slt, %get3A_969, %lt3A_971 : vector<16xi32>
    %sub3A_973 = arith.constant 501760 : i32
    %sub3A_974 = vector.broadcast %sub3A_973 : i32 to vector<16xi32>
    %sub3A_975 = arith.subi %get3A_969, %sub3A_974 : vector<16xi32>
    %select_n3A_976 = arith.select %lt3A_972, %get3A_969, %sub3A_975 : vector<16xi1>, vector<16xi32>
    %swap3A_977 = arith.constant 2 : i32
    %swap3A_978 = arith.index_cast %swap3A_977 : i32 to index
    %swap3A_979 = arith.constant 32 : index
    %swap3A_980 = tpu.vector_load %arg9[%swap3A_978, %swap3A_979] {strides = array<i32>} : memref<4x128xi32, #tpu.memory_space<vmem>>, vector<1x16xi32>,
    %swap3A_981 = vector.shape_cast %swap3A_980 : vector<1x16xi32> to vector<16xi32>
    %swap3A_982 = vector.shape_cast %select_n3A_976 : vector<16xi32> to vector<1x16xi32>
    tpu.vector_store %arg9[%swap3A_978, %swap3A_979], %swap3A_982 {strides = array<i32>} : memref<4x128xi32, #tpu.memory_space<vmem>>, vector<1x16xi32>,
    %get3A_983 = arith.constant 2 : i32
    %get3A_984 = arith.index_cast %get3A_983 : i32 to index
    %get3A_985 = arith.constant 48 : index
    %get3A_986 = tpu.vector_load %arg8[%get3A_984, %get3A_985] {strides = array<i32>} : memref<4x128xi32, #tpu.memory_space<vmem>>, vector<1x16xi32>,
    %get3A_987 = vector.shape_cast %get3A_986 : vector<1x16xi32> to vector<16xi32>
    %lt3A_988 = arith.constant 501760 : i32
    %lt3A_989 = vector.broadcast %lt3A_988 : i32 to vector<16xi32>
    %lt3A_990 = arith.cmpi slt, %get3A_987, %lt3A_989 : vector<16xi32>
    %sub3A_991 = arith.constant 501760 : i32
    %sub3A_992 = vector.broadcast %sub3A_991 : i32 to vector<16xi32>
    %sub3A_993 = arith.subi %get3A_987, %sub3A_992 : vector<16xi32>
    %select_n3A_994 = arith.select %lt3A_990, %get3A_987, %sub3A_993 : vector<16xi1>, vector<16xi32>
    %swap3A_995 = arith.constant 2 : i32
    %swap3A_996 = arith.index_cast %swap3A_995 : i32 to index
    %swap3A_997 = arith.constant 48 : index
    %swap3A_998 = tpu.vector_load %arg9[%swap3A_996, %swap3A_997] {strides = array<i32>} : memref<4x128xi32, #tpu.memory_space<vmem>>, vector<1x16xi32>,
    %swap3A_999 = vector.shape_cast %swap3A_998 : vector<1x16xi32> to vector<16xi32>
    %swap3A_1000 = vector.shape_cast %select_n3A_994 : vector<16xi32> to vector<1x16xi32>
    tpu.vector_store %arg9[%swap3A_996, %swap3A_997], %swap3A_1000 {strides = array<i32>} : memref<4x128xi32, #tpu.memory_space<vmem>>, vector<1x16xi32>,
    %get3A_1001 = arith.constant 2 : i32
    %get3A_1002 = arith.index_cast %get3A_1001 : i32 to index
    %get3A_1003 = arith.constant 64 : index
    %get3A_1004 = tpu.vector_load %arg8[%get3A_1002, %get3A_1003] {strides = array<i32>} : memref<4x128xi32, #tpu.memory_space<vmem>>, vector<1x16xi32>,
    %get3A_1005 = vector.shape_cast %get3A_1004 : vector<1x16xi32> to vector<16xi32>
    %lt3A_1006 = arith.constant 501760 : i32
    %lt3A_1007 = vector.broadcast %lt3A_1006 : i32 to vector<16xi32>
    %lt3A_1008 = arith.cmpi slt, %get3A_1005, %lt3A_1007 : vector<16xi32>
    %sub3A_1009 = arith.constant 501760 : i32
    %sub3A_1010 = vector.broadcast %sub3A_1009 : i32 to vector<16xi32>
    %sub3A_1011 = arith.subi %get3A_1005, %sub3A_1010 : vector<16xi32>
    %select_n3A_1012 = arith.select %lt3A_1008, %get3A_1005, %sub3A_1011 : vector<16xi1>, vector<16xi32>
    %swap3A_1013 = arith.constant 2 : i32
    %swap3A_1014 = arith.index_cast %swap3A_1013 : i32 to index
    %swap3A_1015 = arith.constant 64 : index
    %swap3A_1016 = tpu.vector_load %arg9[%swap3A_1014, %swap3A_1015] {strides = array<i32>} : memref<4x128xi32, #tpu.memory_space<vmem>>, vector<1x16xi32>,
    %swap3A_1017 = vector.shape_cast %swap3A_1016 : vector<1x16xi32> to vector<16xi32>
    %swap3A_1018 = vector.shape_cast %select_n3A_1012 : vector<16xi32> to vector<1x16xi32>
    tpu.vector_store %arg9[%swap3A_1014, %swap3A_1015], %swap3A_1018 {strides = array<i32>} : memref<4x128xi32, #tpu.memory_space<vmem>>, vector<1x16xi32>,
    %get3A_1019 = arith.constant 2 : i32
    %get3A_1020 = arith.index_cast %get3A_1019 : i32 to index
    %get3A_1021 = arith.constant 80 : index
    %get3A_1022 = tpu.vector_load %arg8[%get3A_1020, %get3A_1021] {strides = array<i32>} : memref<4x128xi32, #tpu.memory_space<vmem>>, vector<1x16xi32>,
    %get3A_1023 = vector.shape_cast %get3A_1022 : vector<1x16xi32> to vector<16xi32>
    %lt3A_1024 = arith.constant 501760 : i32
    %lt3A_1025 = vector.broadcast %lt3A_1024 : i32 to vector<16xi32>
    %lt3A_1026 = arith.cmpi slt, %get3A_1023, %lt3A_1025 : vector<16xi32>
    %sub3A_1027 = arith.constant 501760 : i32
    %sub3A_1028 = vector.broadcast %sub3A_1027 : i32 to vector<16xi32>
    %sub3A_1029 = arith.subi %get3A_1023, %sub3A_1028 : vector<16xi32>
    %select_n3A_1030 = arith.select %lt3A_1026, %get3A_1023, %sub3A_1029 : vector<16xi1>, vector<16xi32>
    %swap3A_1031 = arith.constant 2 : i32
    %swap3A_1032 = arith.index_cast %swap3A_1031 : i32 to index
    %swap3A_1033 = arith.constant 80 : index
    %swap3A_1034 = tpu.vector_load %arg9[%swap3A_1032, %swap3A_1033] {strides = array<i32>} : memref<4x128xi32, #tpu.memory_space<vmem>>, vector<1x16xi32>,
    %swap3A_1035 = vector.shape_cast %swap3A_1034 : vector<1x16xi32> to vector<16xi32>
    %swap3A_1036 = vector.shape_cast %select_n3A_1030 : vector<16xi32> to vector<1x16xi32>
    tpu.vector_store %arg9[%swap3A_1032, %swap3A_1033], %swap3A_1036 {strides = array<i32>} : memref<4x128xi32, #tpu.memory_space<vmem>>, vector<1x16xi32>,
    %get3A_1037 = arith.constant 2 : i32
    %get3A_1038 = arith.index_cast %get3A_1037 : i32 to index
    %get3A_1039 = arith.constant 96 : index
    %get3A_1040 = tpu.vector_load %arg8[%get3A_1038, %get3A_1039] {strides = array<i32>} : memref<4x128xi32, #tpu.memory_space<vmem>>, vector<1x16xi32>,
    %get3A_1041 = vector.shape_cast %get3A_1040 : vector<1x16xi32> to vector<16xi32>
    %lt3A_1042 = arith.constant 501760 : i32
    %lt3A_1043 = vector.broadcast %lt3A_1042 : i32 to vector<16xi32>
    %lt3A_1044 = arith.cmpi slt, %get3A_1041, %lt3A_1043 : vector<16xi32>
    %sub3A_1045 = arith.constant 501760 : i32
    %sub3A_1046 = vector.broadcast %sub3A_1045 : i32 to vector<16xi32>
    %sub3A_1047 = arith.subi %get3A_1041, %sub3A_1046 : vector<16xi32>
    %select_n3A_1048 = arith.select %lt3A_1044, %get3A_1041, %sub3A_1047 : vector<16xi1>, vector<16xi32>
    %swap3A_1049 = arith.constant 2 : i32
    %swap3A_1050 = arith.index_cast %swap3A_1049 : i32 to index
    %swap3A_1051 = arith.constant 96 : index
    %swap3A_1052 = tpu.vector_load %arg9[%swap3A_1050, %swap3A_1051] {strides = array<i32>} : memref<4x128xi32, #tpu.memory_space<vmem>>, vector<1x16xi32>,
    %swap3A_1053 = vector.shape_cast %swap3A_1052 : vector<1x16xi32> to vector<16xi32>
    %swap3A_1054 = vector.shape_cast %select_n3A_1048 : vector<16xi32> to vector<1x16xi32>
    tpu.vector_store %arg9[%swap3A_1050, %swap3A_1051], %swap3A_1054 {strides = array<i32>} : memref<4x128xi32, #tpu.memory_space<vmem>>, vector<1x16xi32>,
    %get3A_1055 = arith.constant 2 : i32
    %get3A_1056 = arith.index_cast %get3A_1055 : i32 to index
    %get3A_1057 = arith.constant 112 : index
    %get3A_1058 = tpu.vector_load %arg8[%get3A_1056, %get3A_1057] {strides = array<i32>} : memref<4x128xi32, #tpu.memory_space<vmem>>, vector<1x16xi32>,
    %get3A_1059 = vector.shape_cast %get3A_1058 : vector<1x16xi32> to vector<16xi32>
    %lt3A_1060 = arith.constant 501760 : i32
    %lt3A_1061 = vector.broadcast %lt3A_1060 : i32 to vector<16xi32>
    %lt3A_1062 = arith.cmpi slt, %get3A_1059, %lt3A_1061 : vector<16xi32>
    %sub3A_1063 = arith.constant 501760 : i32
    %sub3A_1064 = vector.broadcast %sub3A_1063 : i32 to vector<16xi32>
    %sub3A_1065 = arith.subi %get3A_1059, %sub3A_1064 : vector<16xi32>
    %select_n3A_1066 = arith.select %lt3A_1062, %get3A_1059, %sub3A_1065 : vector<16xi1>, vector<16xi32>
    %swap3A_1067 = arith.constant 2 : i32
    %swap3A_1068 = arith.index_cast %swap3A_1067 : i32 to index
    %swap3A_1069 = arith.constant 112 : index
    %swap3A_1070 = tpu.vector_load %arg9[%swap3A_1068, %swap3A_1069] {strides = array<i32>} : memref<4x128xi32, #tpu.memory_space<vmem>>, vector<1x16xi32>,
    %swap3A_1071 = vector.shape_cast %swap3A_1070 : vector<1x16xi32> to vector<16xi32>
    %swap3A_1072 = vector.shape_cast %select_n3A_1066 : vector<16xi32> to vector<1x16xi32>
    tpu.vector_store %arg9[%swap3A_1068, %swap3A_1069], %swap3A_1072 {strides = array<i32>} : memref<4x128xi32, #tpu.memory_space<vmem>>, vector<1x16xi32>,
    %get3A_1073 = arith.constant 3 : i32
    %get3A_1074 = arith.index_cast %get3A_1073 : i32 to index
    %get3A_1075 = arith.constant 0 : index
    %get3A_1076 = tpu.vector_load %arg8[%get3A_1074, %get3A_1075] {strides = array<i32>} : memref<4x128xi32, #tpu.memory_space<vmem>>, vector<1x16xi32>,
    %get3A_1077 = vector.shape_cast %get3A_1076 : vector<1x16xi32> to vector<16xi32>
    %lt3A_1078 = arith.constant 501760 : i32
    %lt3A_1079 = vector.broadcast %lt3A_1078 : i32 to vector<16xi32>
    %lt3A_1080 = arith.cmpi slt, %get3A_1077, %lt3A_1079 : vector<16xi32>
    %sub3A_1081 = arith.constant 501760 : i32
    %sub3A_1082 = vector.broadcast %sub3A_1081 : i32 to vector<16xi32>
    %sub3A_1083 = arith.subi %get3A_1077, %sub3A_1082 : vector<16xi32>
    %select_n3A_1084 = arith.select %lt3A_1080, %get3A_1077, %sub3A_1083 : vector<16xi1>, vector<16xi32>
    %swap3A_1085 = arith.constant 3 : i32
    %swap3A_1086 = arith.index_cast %swap3A_1085 : i32 to index
    %swap3A_1087 = arith.constant 0 : index
    %swap3A_1088 = tpu.vector_load %arg9[%swap3A_1086, %swap3A_1087] {strides = array<i32>} : memref<4x128xi32, #tpu.memory_space<vmem>>, vector<1x16xi32>,
    %swap3A_1089 = vector.shape_cast %swap3A_1088 : vector<1x16xi32> to vector<16xi32>
    %swap3A_1090 = vector.shape_cast %select_n3A_1084 : vector<16xi32> to vector<1x16xi32>
    tpu.vector_store %arg9[%swap3A_1086, %swap3A_1087], %swap3A_1090 {strides = array<i32>} : memref<4x128xi32, #tpu.memory_space<vmem>>, vector<1x16xi32>,
    %get3A_1091 = arith.constant 3 : i32
    %get3A_1092 = arith.index_cast %get3A_1091 : i32 to index
    %get3A_1093 = arith.constant 16 : index
    %get3A_1094 = tpu.vector_load %arg8[%get3A_1092, %get3A_1093] {strides = array<i32>} : memref<4x128xi32, #tpu.memory_space<vmem>>, vector<1x16xi32>,
    %get3A_1095 = vector.shape_cast %get3A_1094 : vector<1x16xi32> to vector<16xi32>
    %lt3A_1096 = arith.constant 501760 : i32
    %lt3A_1097 = vector.broadcast %lt3A_1096 : i32 to vector<16xi32>
    %lt3A_1098 = arith.cmpi slt, %get3A_1095, %lt3A_1097 : vector<16xi32>
    %sub3A_1099 = arith.constant 501760 : i32
    %sub3A_1100 = vector.broadcast %sub3A_1099 : i32 to vector<16xi32>
    %sub3A_1101 = arith.subi %get3A_1095, %sub3A_1100 : vector<16xi32>
    %select_n3A_1102 = arith.select %lt3A_1098, %get3A_1095, %sub3A_1101 : vector<16xi1>, vector<16xi32>
    %swap3A_1103 = arith.constant 3 : i32
    %swap3A_1104 = arith.index_cast %swap3A_1103 : i32 to index
    %swap3A_1105 = arith.constant 16 : index
    %swap3A_1106 = tpu.vector_load %arg9[%swap3A_1104, %swap3A_1105] {strides = array<i32>} : memref<4x128xi32, #tpu.memory_space<vmem>>, vector<1x16xi32>,
    %swap3A_1107 = vector.shape_cast %swap3A_1106 : vector<1x16xi32> to vector<16xi32>
    %swap3A_1108 = vector.shape_cast %select_n3A_1102 : vector<16xi32> to vector<1x16xi32>
    tpu.vector_store %arg9[%swap3A_1104, %swap3A_1105], %swap3A_1108 {strides = array<i32>} : memref<4x128xi32, #tpu.memory_space<vmem>>, vector<1x16xi32>,
    %get3A_1109 = arith.constant 3 : i32
    %get3A_1110 = arith.index_cast %get3A_1109 : i32 to index
    %get3A_1111 = arith.constant 32 : index
    %get3A_1112 = tpu.vector_load %arg8[%get3A_1110, %get3A_1111] {strides = array<i32>} : memref<4x128xi32, #tpu.memory_space<vmem>>, vector<1x16xi32>,
    %get3A_1113 = vector.shape_cast %get3A_1112 : vector<1x16xi32> to vector<16xi32>
    %lt3A_1114 = arith.constant 501760 : i32
    %lt3A_1115 = vector.broadcast %lt3A_1114 : i32 to vector<16xi32>
    %lt3A_1116 = arith.cmpi slt, %get3A_1113, %lt3A_1115 : vector<16xi32>
    %sub3A_1117 = arith.constant 501760 : i32
    %sub3A_1118 = vector.broadcast %sub3A_1117 : i32 to vector<16xi32>
    %sub3A_1119 = arith.subi %get3A_1113, %sub3A_1118 : vector<16xi32>
    %select_n3A_1120 = arith.select %lt3A_1116, %get3A_1113, %sub3A_1119 : vector<16xi1>, vector<16xi32>
    %swap3A_1121 = arith.constant 3 : i32
    %swap3A_1122 = arith.index_cast %swap3A_1121 : i32 to index
    %swap3A_1123 = arith.constant 32 : index
    %swap3A_1124 = tpu.vector_load %arg9[%swap3A_1122, %swap3A_1123] {strides = array<i32>} : memref<4x128xi32, #tpu.memory_space<vmem>>, vector<1x16xi32>,
    %swap3A_1125 = vector.shape_cast %swap3A_1124 : vector<1x16xi32> to vector<16xi32>
    %swap3A_1126 = vector.shape_cast %select_n3A_1120 : vector<16xi32> to vector<1x16xi32>
    tpu.vector_store %arg9[%swap3A_1122, %swap3A_1123], %swap3A_1126 {strides = array<i32>} : memref<4x128xi32, #tpu.memory_space<vmem>>, vector<1x16xi32>,
    %get3A_1127 = arith.constant 3 : i32
    %get3A_1128 = arith.index_cast %get3A_1127 : i32 to index
    %get3A_1129 = arith.constant 48 : index
    %get3A_1130 = tpu.vector_load %arg8[%get3A_1128, %get3A_1129] {strides = array<i32>} : memref<4x128xi32, #tpu.memory_space<vmem>>, vector<1x16xi32>,
    %get3A_1131 = vector.shape_cast %get3A_1130 : vector<1x16xi32> to vector<16xi32>
    %lt3A_1132 = arith.constant 501760 : i32
    %lt3A_1133 = vector.broadcast %lt3A_1132 : i32 to vector<16xi32>
    %lt3A_1134 = arith.cmpi slt, %get3A_1131, %lt3A_1133 : vector<16xi32>
    %sub3A_1135 = arith.constant 501760 : i32
    %sub3A_1136 = vector.broadcast %sub3A_1135 : i32 to vector<16xi32>
    %sub3A_1137 = arith.subi %get3A_1131, %sub3A_1136 : vector<16xi32>
    %select_n3A_1138 = arith.select %lt3A_1134, %get3A_1131, %sub3A_1137 : vector<16xi1>, vector<16xi32>
    %swap3A_1139 = arith.constant 3 : i32
    %swap3A_1140 = arith.index_cast %swap3A_1139 : i32 to index
    %swap3A_1141 = arith.constant 48 : index
    %swap3A_1142 = tpu.vector_load %arg9[%swap3A_1140, %swap3A_1141] {strides = array<i32>} : memref<4x128xi32, #tpu.memory_space<vmem>>, vector<1x16xi32>,
    %swap3A_1143 = vector.shape_cast %swap3A_1142 : vector<1x16xi32> to vector<16xi32>
    %swap3A_1144 = vector.shape_cast %select_n3A_1138 : vector<16xi32> to vector<1x16xi32>
    tpu.vector_store %arg9[%swap3A_1140, %swap3A_1141], %swap3A_1144 {strides = array<i32>} : memref<4x128xi32, #tpu.memory_space<vmem>>, vector<1x16xi32>,
    %get3A_1145 = arith.constant 3 : i32
    %get3A_1146 = arith.index_cast %get3A_1145 : i32 to index
    %get3A_1147 = arith.constant 64 : index
    %get3A_1148 = tpu.vector_load %arg8[%get3A_1146, %get3A_1147] {strides = array<i32>} : memref<4x128xi32, #tpu.memory_space<vmem>>, vector<1x16xi32>,
    %get3A_1149 = vector.shape_cast %get3A_1148 : vector<1x16xi32> to vector<16xi32>
    %lt3A_1150 = arith.constant 501760 : i32
    %lt3A_1151 = vector.broadcast %lt3A_1150 : i32 to vector<16xi32>
    %lt3A_1152 = arith.cmpi slt, %get3A_1149, %lt3A_1151 : vector<16xi32>
    %sub3A_1153 = arith.constant 501760 : i32
    %sub3A_1154 = vector.broadcast %sub3A_1153 : i32 to vector<16xi32>
    %sub3A_1155 = arith.subi %get3A_1149, %sub3A_1154 : vector<16xi32>
    %select_n3A_1156 = arith.select %lt3A_1152, %get3A_1149, %sub3A_1155 : vector<16xi1>, vector<16xi32>
    %swap3A_1157 = arith.constant 3 : i32
    %swap3A_1158 = arith.index_cast %swap3A_1157 : i32 to index
    %swap3A_1159 = arith.constant 64 : index
    %swap3A_1160 = tpu.vector_load %arg9[%swap3A_1158, %swap3A_1159] {strides = array<i32>} : memref<4x128xi32, #tpu.memory_space<vmem>>, vector<1x16xi32>,
    %swap3A_1161 = vector.shape_cast %swap3A_1160 : vector<1x16xi32> to vector<16xi32>
    %swap3A_1162 = vector.shape_cast %select_n3A_1156 : vector<16xi32> to vector<1x16xi32>
    tpu.vector_store %arg9[%swap3A_1158, %swap3A_1159], %swap3A_1162 {strides = array<i32>} : memref<4x128xi32, #tpu.memory_space<vmem>>, vector<1x16xi32>,
    %get3A_1163 = arith.constant 3 : i32
    %get3A_1164 = arith.index_cast %get3A_1163 : i32 to index
    %get3A_1165 = arith.constant 80 : index
    %get3A_1166 = tpu.vector_load %arg8[%get3A_1164, %get3A_1165] {strides = array<i32>} : memref<4x128xi32, #tpu.memory_space<vmem>>, vector<1x16xi32>,
    %get3A_1167 = vector.shape_cast %get3A_1166 : vector<1x16xi32> to vector<16xi32>
    %lt3A_1168 = arith.constant 501760 : i32
    %lt3A_1169 = vector.broadcast %lt3A_1168 : i32 to vector<16xi32>
    %lt3A_1170 = arith.cmpi slt, %get3A_1167, %lt3A_1169 : vector<16xi32>
    %sub3A_1171 = arith.constant 501760 : i32
    %sub3A_1172 = vector.broadcast %sub3A_1171 : i32 to vector<16xi32>
    %sub3A_1173 = arith.subi %get3A_1167, %sub3A_1172 : vector<16xi32>
    %select_n3A_1174 = arith.select %lt3A_1170, %get3A_1167, %sub3A_1173 : vector<16xi1>, vector<16xi32>
    %swap3A_1175 = arith.constant 3 : i32
    %swap3A_1176 = arith.index_cast %swap3A_1175 : i32 to index
    %swap3A_1177 = arith.constant 80 : index
    %swap3A_1178 = tpu.vector_load %arg9[%swap3A_1176, %swap3A_1177] {strides = array<i32>} : memref<4x128xi32, #tpu.memory_space<vmem>>, vector<1x16xi32>,
    %swap3A_1179 = vector.shape_cast %swap3A_1178 : vector<1x16xi32> to vector<16xi32>
    %swap3A_1180 = vector.shape_cast %select_n3A_1174 : vector<16xi32> to vector<1x16xi32>
    tpu.vector_store %arg9[%swap3A_1176, %swap3A_1177], %swap3A_1180 {strides = array<i32>} : memref<4x128xi32, #tpu.memory_space<vmem>>, vector<1x16xi32>,
    %get3A_1181 = arith.constant 3 : i32
    %get3A_1182 = arith.index_cast %get3A_1181 : i32 to index
    %get3A_1183 = arith.constant 96 : index
    %get3A_1184 = tpu.vector_load %arg8[%get3A_1182, %get3A_1183] {strides = array<i32>} : memref<4x128xi32, #tpu.memory_space<vmem>>, vector<1x16xi32>,
    %get3A_1185 = vector.shape_cast %get3A_1184 : vector<1x16xi32> to vector<16xi32>
    %lt3A_1186 = arith.constant 501760 : i32
    %lt3A_1187 = vector.broadcast %lt3A_1186 : i32 to vector<16xi32>
    %lt3A_1188 = arith.cmpi slt, %get3A_1185, %lt3A_1187 : vector<16xi32>
    %sub3A_1189 = arith.constant 501760 : i32
    %sub3A_1190 = vector.broadcast %sub3A_1189 : i32 to vector<16xi32>
    %sub3A_1191 = arith.subi %get3A_1185, %sub3A_1190 : vector<16xi32>
    %select_n3A_1192 = arith.select %lt3A_1188, %get3A_1185, %sub3A_1191 : vector<16xi1>, vector<16xi32>
    %swap3A_1193 = arith.constant 3 : i32
    %swap3A_1194 = arith.index_cast %swap3A_1193 : i32 to index
    %swap3A_1195 = arith.constant 96 : index
    %swap3A_1196 = tpu.vector_load %arg9[%swap3A_1194, %swap3A_1195] {strides = array<i32>} : memref<4x128xi32, #tpu.memory_space<vmem>>, vector<1x16xi32>,
    %swap3A_1197 = vector.shape_cast %swap3A_1196 : vector<1x16xi32> to vector<16xi32>
    %swap3A_1198 = vector.shape_cast %select_n3A_1192 : vector<16xi32> to vector<1x16xi32>
    tpu.vector_store %arg9[%swap3A_1194, %swap3A_1195], %swap3A_1198 {strides = array<i32>} : memref<4x128xi32, #tpu.memory_space<vmem>>, vector<1x16xi32>,
    %get3A_1199 = arith.constant 3 : i32
    %get3A_1200 = arith.index_cast %get3A_1199 : i32 to index
    %get3A_1201 = arith.constant 112 : index
    %get3A_1202 = tpu.vector_load %arg8[%get3A_1200, %get3A_1201] {strides = array<i32>} : memref<4x128xi32, #tpu.memory_space<vmem>>, vector<1x16xi32>,
    %get3A_1203 = vector.shape_cast %get3A_1202 : vector<1x16xi32> to vector<16xi32>
    %lt3A_1204 = arith.constant 501760 : i32
    %lt3A_1205 = vector.broadcast %lt3A_1204 : i32 to vector<16xi32>
    %lt3A_1206 = arith.cmpi slt, %get3A_1203, %lt3A_1205 : vector<16xi32>
    %sub3A_1207 = arith.constant 501760 : i32
    %sub3A_1208 = vector.broadcast %sub3A_1207 : i32 to vector<16xi32>
    %sub3A_1209 = arith.subi %get3A_1203, %sub3A_1208 : vector<16xi32>
    %select_n3A_1210 = arith.select %lt3A_1206, %get3A_1203, %sub3A_1209 : vector<16xi1>, vector<16xi32>
    %swap3A_1211 = arith.constant 3 : i32
    %swap3A_1212 = arith.index_cast %swap3A_1211 : i32 to index
    %swap3A_1213 = arith.constant 112 : index
    %swap3A_1214 = tpu.vector_load %arg9[%swap3A_1212, %swap3A_1213] {strides = array<i32>} : memref<4x128xi32, #tpu.memory_space<vmem>>, vector<1x16xi32>,
    %swap3A_1215 = vector.shape_cast %swap3A_1214 : vector<1x16xi32> to vector<16xi32>
    %swap3A_1216 = vector.shape_cast %select_n3A_1210 : vector<16xi32> to vector<1x16xi32>
    tpu.vector_store %arg9[%swap3A_1212, %swap3A_1213], %swap3A_1216 {strides = array<i32>} : memref<4x128xi32, #tpu.memory_space<vmem>>, vector<1x16xi32>,
    %dma_start3A_1217 = arith.constant 0 : i32
    %dma_start3A_1218 = arith.constant 0 : i32
    %dma_start3A_1219 = arith.constant 0 : i32
    %dma_start3A_1220 = tpu.memref_slice %arg10[%dma_start3A_1218, %dma_start3A_1219] : memref<512x128xf32, #tpu.memory_space<vmem>> -> memref<128x128xf32, #tpu.memory_space<vmem>>
    %dma_start3A_1221 = arith.constant 0 : i32
    %dma_start3A_1222 = tpu.memref_slice %arg9[%dma_start3A_1217, %dma_start3A_1221] : memref<4x128xi32, #tpu.memory_space<vmem>> -> memref<1x128xi32, #tpu.memory_space<vmem>>
    %dma_start3A_1223 = tpu.memref_squeeze %dma_start3A_1222 : memref<1x128xi32, #tpu.memory_space<vmem>> -> memref<128xi32, #tpu.memory_space<vmem>>
    %dma_start3A_1224 = arith.constant 0 : i32
    %dma_start3A_1225 = arith.constant 0 : i32
    %dma_start3A_1226 = tpu.memref_slice %arg5[%dma_start3A_1224, %dma_start3A_1225] : memref<501760x128xf32, #tpu.memory_space<hbm>> -> memref<501760x128xf32, #tpu.memory_space<hbm>>
    tpu.enqueue_indirect_dma source(%dma_start3A_1226 : memref<501760x128xf32, #tpu.memory_space<hbm>>) target(%dma_start3A_1220 : memref<128x128xf32, #tpu.memory_space<vmem>>) offsets(%dma_start3A_1223 : memref<128xi32, #tpu.memory_space<vmem>>) semaphore(%arg11 : memref<!tpu.dma_semaphore, #tpu.memory_space<semaphore_mem>>)
    %dma_start3A_1227 = arith.constant 1 : i32
    %dma_start3A_1228 = arith.constant 128 : i32
    %dma_start3A_1229 = arith.constant 0 : i32
    %dma_start3A_1230 = tpu.memref_slice %arg10[%dma_start3A_1228, %dma_start3A_1229] : memref<512x128xf32, #tpu.memory_space<vmem>> -> memref<128x128xf32, #tpu.memory_space<vmem>>
    %dma_start3A_1231 = arith.constant 0 : i32
    %dma_start3A_1232 = tpu.memref_slice %arg9[%dma_start3A_1227, %dma_start3A_1231] : memref<4x128xi32, #tpu.memory_space<vmem>> -> memref<1x128xi32, #tpu.memory_space<vmem>>
    %dma_start3A_1233 = tpu.memref_squeeze %dma_start3A_1232 : memref<1x128xi32, #tpu.memory_space<vmem>> -> memref<128xi32, #tpu.memory_space<vmem>>
    %dma_start3A_1234 = arith.constant 0 : i32
    %dma_start3A_1235 = arith.constant 0 : i32
    %dma_start3A_1236 = tpu.memref_slice %arg5[%dma_start3A_1234, %dma_start3A_1235] : memref<501760x128xf32, #tpu.memory_space<hbm>> -> memref<501760x128xf32, #tpu.memory_space<hbm>>
    tpu.enqueue_indirect_dma source(%dma_start3A_1236 : memref<501760x128xf32, #tpu.memory_space<hbm>>) target(%dma_start3A_1230 : memref<128x128xf32, #tpu.memory_space<vmem>>) offsets(%dma_start3A_1233 : memref<128xi32, #tpu.memory_space<vmem>>) semaphore(%arg11 : memref<!tpu.dma_semaphore, #tpu.memory_space<semaphore_mem>>)
    %dma_start3A_1237 = arith.constant 2 : i32
    %dma_start3A_1238 = arith.constant 256 : i32
    %dma_start3A_1239 = arith.constant 0 : i32
    %dma_start3A_1240 = tpu.memref_slice %arg10[%dma_start3A_1238, %dma_start3A_1239] : memref<512x128xf32, #tpu.memory_space<vmem>> -> memref<128x128xf32, #tpu.memory_space<vmem>>
    %dma_start3A_1241 = arith.constant 0 : i32
    %dma_start3A_1242 = tpu.memref_slice %arg9[%dma_start3A_1237, %dma_start3A_1241] : memref<4x128xi32, #tpu.memory_space<vmem>> -> memref<1x128xi32, #tpu.memory_space<vmem>>
    %dma_start3A_1243 = tpu.memref_squeeze %dma_start3A_1242 : memref<1x128xi32, #tpu.memory_space<vmem>> -> memref<128xi32, #tpu.memory_space<vmem>>
    %dma_start3A_1244 = arith.constant 0 : i32
    %dma_start3A_1245 = arith.constant 0 : i32
    %dma_start3A_1246 = tpu.memref_slice %arg5[%dma_start3A_1244, %dma_start3A_1245] : memref<501760x128xf32, #tpu.memory_space<hbm>> -> memref<501760x128xf32, #tpu.memory_space<hbm>>
    tpu.enqueue_indirect_dma source(%dma_start3A_1246 : memref<501760x128xf32, #tpu.memory_space<hbm>>) target(%dma_start3A_1240 : memref<128x128xf32, #tpu.memory_space<vmem>>) offsets(%dma_start3A_1243 : memref<128xi32, #tpu.memory_space<vmem>>) semaphore(%arg11 : memref<!tpu.dma_semaphore, #tpu.memory_space<semaphore_mem>>)
    %dma_start3A_1247 = arith.constant 3 : i32
    %dma_start3A_1248 = arith.constant 384 : i32
    %dma_start3A_1249 = arith.constant 0 : i32
    %dma_start3A_1250 = tpu.memref_slice %arg10[%dma_start3A_1248, %dma_start3A_1249] : memref<512x128xf32, #tpu.memory_space<vmem>> -> memref<128x128xf32, #tpu.memory_space<vmem>>
    %dma_start3A_1251 = arith.constant 0 : i32
    %dma_start3A_1252 = tpu.memref_slice %arg9[%dma_start3A_1247, %dma_start3A_1251] : memref<4x128xi32, #tpu.memory_space<vmem>> -> memref<1x128xi32, #tpu.memory_space<vmem>>
    %dma_start3A_1253 = tpu.memref_squeeze %dma_start3A_1252 : memref<1x128xi32, #tpu.memory_space<vmem>> -> memref<128xi32, #tpu.memory_space<vmem>>
    %dma_start3A_1254 = arith.constant 0 : i32
    %dma_start3A_1255 = arith.constant 0 : i32
    %dma_start3A_1256 = tpu.memref_slice %arg5[%dma_start3A_1254, %dma_start3A_1255] : memref<501760x128xf32, #tpu.memory_space<hbm>> -> memref<501760x128xf32, #tpu.memory_space<hbm>>
    tpu.enqueue_indirect_dma source(%dma_start3A_1256 : memref<501760x128xf32, #tpu.memory_space<hbm>>) target(%dma_start3A_1250 : memref<128x128xf32, #tpu.memory_space<vmem>>) offsets(%dma_start3A_1253 : memref<128xi32, #tpu.memory_space<vmem>>) semaphore(%arg11 : memref<!tpu.dma_semaphore, #tpu.memory_space<semaphore_mem>>)
    %dma_wait3A_1257 = arith.constant 0 : i32
    %dma_wait3A_1258 = arith.constant 0 : i32
    %dma_wait3A_1259 = tpu.memref_slice %arg5[%dma_wait3A_1257, %dma_wait3A_1258] : memref<501760x128xf32, #tpu.memory_space<hbm>> -> memref<512x128xf32, #tpu.memory_space<hbm>>
    %dma_wait3A_1260 = arith.constant 0 : i32
    %dma_wait3A_1261 = arith.constant 0 : i32
    %dma_wait3A_1262 = tpu.memref_slice %arg5[%dma_wait3A_1260, %dma_wait3A_1261] : memref<501760x128xf32, #tpu.memory_space<hbm>> -> memref<512x128xf32, #tpu.memory_space<hbm>>
    tpu.wait_dma2 semaphore(%arg11 : memref<!tpu.dma_semaphore, #tpu.memory_space<semaphore_mem>>) src(%dma_wait3A_1262 : memref<512x128xf32, #tpu.memory_space<hbm>>) dst(%arg10 : memref<512x128xf32, #tpu.memory_space<vmem>>)
    "tpu.region"() ({
      %run_scoped3A_1263 = tpu.sem_alloc : memref<!tpu.dma_semaphore, #tpu.memory_space<semaphore_mem>>
      %dma_start3A_1264 = arith.constant 0 : i32
      %dma_start3A_1265 = tpu.memref_slice %arg7[%mul3A_2, %dma_start3A_1264] : memref<16384x128xf32, #tpu.memory_space<hbm>> -> memref<512x128xf32, #tpu.memory_space<hbm>>
      %dma_start3A_1266 = arith.constant 0 : i32
      %dma_start3A_1267 = tpu.memref_slice %arg7[%mul3A_2, %dma_start3A_1266] : memref<16384x128xf32, #tpu.memory_space<hbm>> -> memref<512x128xf32, #tpu.memory_space<hbm>>
      tpu.enqueue_dma source(%arg10 : memref<512x128xf32, #tpu.memory_space<vmem>>) target(%dma_start3A_1267 : memref<512x128xf32, #tpu.memory_space<hbm>>) target_semaphore(%run_scoped3A_1263 : memref<!tpu.dma_semaphore, #tpu.memory_space<semaphore_mem>>)
      %dma_wait3A_1268 = arith.constant 0 : i32
      %dma_wait3A_1269 = tpu.memref_slice %arg7[%mul3A_2, %dma_wait3A_1268] : memref<16384x128xf32, #tpu.memory_space<hbm>> -> memref<512x128xf32, #tpu.memory_space<hbm>>
      %dma_wait3A_1270 = arith.constant 0 : i32
      %dma_wait3A_1271 = tpu.memref_slice %arg7[%mul3A_2, %dma_wait3A_1270] : memref<16384x128xf32, #tpu.memory_space<hbm>> -> memref<512x128xf32, #tpu.memory_space<hbm>>
      tpu.wait_dma2 semaphore(%run_scoped3A_1263 : memref<!tpu.dma_semaphore, #tpu.memory_space<semaphore_mem>>) src(%arg10 : memref<512x128xf32, #tpu.memory_space<vmem>>) dst(%dma_wait3A_1271 : memref<512x128xf32, #tpu.memory_space<hbm>>)
      tpu.yield
    }) : () -> ()
    return
  }
}

module attributes {stable_mosaic.version = 14 : i64} {
  func.func @_relayout_body(%arg0: i32, %arg1: memref<64x2048xf32, #tpu.memory_space<vmem>>, %arg2: memref<64x2048xf32, #tpu.memory_space<vmem>>, %arg3: memref<2048x128xf32, #tpu.memory_space<vmem>>) attributes {dimension_semantics = [#tpu.dimension_semantics<arbitrary>], iteration_bounds = array<i64: 245>, scalar_prefetch = 0 : i64, scratch_operands = 0 : i64, tpu.core_type = #tpu.core_type<tc>, window_params = [{transform_indices = @transform_0, window_bounds = array<i64: 64, 2048>}, {transform_indices = @transform_1, window_bounds = array<i64: 64, 2048>}, {transform_indices = @transform_2, window_bounds = array<i64: 2048, 128>}]} {
    %get3A = arith.constant 0 : index
    %get3A_0 = arith.constant 0 : index
    %get3A_1 = vector.load %arg1[%get3A, %get3A_0] : memref<64x2048xf32, #tpu.memory_space<vmem>>, vector<64x2048xf32>
    %transpose3A = tpu.transpose %get3A_1, [1, 0] : vector<64x2048xf32> -> vector<2048x64xf32>
    %get3A_2 = arith.constant 0 : index
    %get3A_3 = arith.constant 0 : index
    %get3A_4 = vector.load %arg2[%get3A_2, %get3A_3] : memref<64x2048xf32, #tpu.memory_space<vmem>>, vector<64x2048xf32>
    %transpose3A_5 = tpu.transpose %get3A_4, [1, 0] : vector<64x2048xf32> -> vector<2048x64xf32>
    %concatenate3A = tpu.concatenate %transpose3A, %transpose3A_5 in 1 : vector<2048x64xf32>, vector<2048x64xf32> -> vector<2048x128xf32>
    %swap3A = arith.constant 0 : index
    %swap3A_6 = arith.constant 0 : index
    %swap3A_7 = vector.load %arg3[%swap3A, %swap3A_6] : memref<2048x128xf32, #tpu.memory_space<vmem>>, vector<2048x128xf32>
    tpu.vector_store %arg3[%swap3A, %swap3A_6], %concatenate3A {strides = array<i32>} : memref<2048x128xf32, #tpu.memory_space<vmem>>, vector<2048x128xf32>,
    return
  }
  func.func @transform_0(%arg0: i32) -> (i32, i32) {
    %c0_i32 = arith.constant 0 : i32
    %c0_i32_0 = arith.constant 0 : i32
    return %c0_i32, %arg0 : i32, i32
  }
  func.func @transform_1(%arg0: i32) -> (i32, i32) {
    %add3A = arith.constant 245 : i32
    %add3A_0 = arith.addi %arg0, %add3A : i32
    %min3A = arith.constant 488 : i32
    %min3A_1 = arith.minsi %add3A_0, %min3A : i32
    %c0_i32 = arith.constant 0 : i32
    %c0_i32_2 = arith.constant 0 : i32
    return %c0_i32, %min3A_1 : i32, i32
  }
  func.func @transform_2(%arg0: i32) -> (i32, i32) {
    %c0_i32 = arith.constant 0 : i32
    %c0_i32_0 = arith.constant 0 : i32
    return %arg0, %c0_i32 : i32, i32
  }
}

module attributes {stable_mosaic.version = 14 : i64} {
  func.func @_mlp_body(%arg0: memref<16384x128xf32, #tpu.memory_space<vmem>>, %arg1: memref<16384x128xf32, #tpu.memory_space<vmem>>, %arg2: memref<16384x128xf32, #tpu.memory_space<vmem>>, %arg3: memref<16384x128xf32, #tpu.memory_space<vmem>>, %arg4: memref<64x128xf32, #tpu.memory_space<vmem>>, %arg5: memref<64x128xf32, #tpu.memory_space<vmem>>, %arg6: memref<1x128xf32, #tpu.memory_space<vmem>>, %arg7: memref<1x128xf32, #tpu.memory_space<vmem>>, %arg8: memref<1x128xf32, #tpu.memory_space<vmem>>, %arg9: memref<128x64xf32, #tpu.memory_space<vmem>>, %arg10: memref<1x64xf32, #tpu.memory_space<vmem>>, %arg11: memref<1x64xf32, #tpu.memory_space<vmem>>, %arg12: memref<1x64xf32, #tpu.memory_space<vmem>>, %arg13: memref<64x1xf32, #tpu.memory_space<vmem>>, %arg14: memref<1x1xf32, #tpu.memory_space<vmem>>, %arg15: memref<16384x1xf32, #tpu.memory_space<vmem>>) attributes {dimension_semantics = [], scalar_prefetch = 0 : i64, scratch_operands = 0 : i64, tpu.core_type = #tpu.core_type<tc>} {
    %get3A = arith.constant 0 : index
    %get3A_0 = arith.constant 0 : index
    %get3A_1 = vector.load %arg0[%get3A, %get3A_0] : memref<16384x128xf32, #tpu.memory_space<vmem>>, vector<16384x128xf32>
    %get3A_2 = arith.constant 0 : index
    %get3A_3 = arith.constant 0 : index
    %get3A_4 = vector.load %arg2[%get3A_2, %get3A_3] : memref<16384x128xf32, #tpu.memory_space<vmem>>, vector<16384x128xf32>
    %mul3A = arith.mulf %get3A_1, %get3A_4 : vector<16384x128xf32>
    %get3A_5 = arith.constant 0 : index
    %get3A_6 = arith.constant 0 : index
    %get3A_7 = vector.load %arg1[%get3A_5, %get3A_6] : memref<16384x128xf32, #tpu.memory_space<vmem>>, vector<16384x128xf32>
    %get3A_8 = arith.constant 0 : index
    %get3A_9 = arith.constant 0 : index
    %get3A_10 = vector.load %arg3[%get3A_8, %get3A_9] : memref<16384x128xf32, #tpu.memory_space<vmem>>, vector<16384x128xf32>
    %mul3A_11 = arith.mulf %get3A_7, %get3A_10 : vector<16384x128xf32>
    %slice3A = vector.extract_strided_slice %mul3A {offsets = [0, 0], sizes = [16384, 64], strides = [1, 1]} : vector<16384x128xf32> to vector<16384x64xf32>
    %slice3A_12 = vector.extract_strided_slice %mul3A {offsets = [0, 64], sizes = [16384, 64], strides = [1, 1]} : vector<16384x128xf32> to vector<16384x64xf32>
    %add3A = arith.addf %slice3A, %slice3A_12 : vector<16384x64xf32>
    %slice3A_13 = vector.extract_strided_slice %mul3A_11 {offsets = [0, 0], sizes = [16384, 64], strides = [1, 1]} : vector<16384x128xf32> to vector<16384x64xf32>
    %slice3A_14 = vector.extract_strided_slice %mul3A_11 {offsets = [0, 64], sizes = [16384, 64], strides = [1, 1]} : vector<16384x128xf32> to vector<16384x64xf32>
    %add3A_15 = arith.addf %slice3A_13, %slice3A_14 : vector<16384x64xf32>
    %get3A_16 = arith.constant 0 : index
    %get3A_17 = arith.constant 0 : index
    %get3A_18 = vector.load %arg4[%get3A_16, %get3A_17] : memref<64x128xf32, #tpu.memory_space<vmem>>, vector<64x128xf32>
    %dot_general3A = arith.constant dense<0.000000e+00> : vector<16384x128xf32>
    %dot_general3A_19 = tpu.matmul %add3A, %get3A_18, %dot_general3A {dimension_numbers = #tpu.dot_dimension_numbers<[1], [0], [0], [1], [0, 0, 1, 1], [], []>, transpose_lhs_hint = false} : vector<16384x64xf32>, vector<64x128xf32>, vector<16384x128xf32> -> vector<16384x128xf32>
    %get3A_20 = arith.constant 0 : index
    %get3A_21 = arith.constant 0 : index
    %get3A_22 = vector.load %arg5[%get3A_20, %get3A_21] : memref<64x128xf32, #tpu.memory_space<vmem>>, vector<64x128xf32>
    %dot_general3A_23 = arith.constant dense<0.000000e+00> : vector<16384x128xf32>
    %dot_general3A_24 = tpu.matmul %add3A_15, %get3A_22, %dot_general3A_23 {dimension_numbers = #tpu.dot_dimension_numbers<[1], [0], [0], [1], [0, 0, 1, 1], [], []>, transpose_lhs_hint = false} : vector<16384x64xf32>, vector<64x128xf32>, vector<16384x128xf32> -> vector<16384x128xf32>
    %add3A_25 = arith.addf %dot_general3A_19, %dot_general3A_24 : vector<16384x128xf32>
    %get3A_26 = arith.constant 0 : index
    %get3A_27 = arith.constant 0 : index
    %get3A_28 = vector.load %arg6[%get3A_26, %get3A_27] : memref<1x128xf32, #tpu.memory_space<vmem>>, vector<1x128xf32>
    %add3A_29 = vector.broadcast %get3A_28 : vector<1x128xf32> to vector<16384x128xf32>
    %add3A_30 = arith.addf %add3A_25, %add3A_29 : vector<16384x128xf32>
    %reduce_sum3A = arith.constant dense<0.000000e+00> : vector<128xf32>
    %reduce_sum3A_31 = vector.multi_reduction <add>, %add3A_30, %reduce_sum3A [0] : vector<16384x128xf32> to vector<128xf32>
    %broadcast_in_dim3A = vector.shape_cast %reduce_sum3A_31 : vector<128xf32> to vector<1x128xf32>
    %div3A = arith.constant 1.638400e+04 : f32
    %div3A_32 = vector.broadcast %div3A : f32 to vector<1x128xf32>
    %div3A_33 = arith.divf %broadcast_in_dim3A, %div3A_32 : vector<1x128xf32>
    %sub3A = vector.broadcast %div3A_33 : vector<1x128xf32> to vector<16384x128xf32>
    %sub3A_34 = arith.subf %add3A_30, %sub3A : vector<16384x128xf32>
    %square3A = arith.mulf %sub3A_34, %sub3A_34 : vector<16384x128xf32>
    %reduce_sum3A_35 = arith.constant dense<0.000000e+00> : vector<128xf32>
    %reduce_sum3A_36 = vector.multi_reduction <add>, %square3A, %reduce_sum3A_35 [0] : vector<16384x128xf32> to vector<128xf32>
    %broadcast_in_dim3A_37 = vector.shape_cast %reduce_sum3A_36 : vector<128xf32> to vector<1x128xf32>
    %div3A_38 = arith.constant 1.638400e+04 : f32
    %div3A_39 = vector.broadcast %div3A_38 : f32 to vector<1x128xf32>
    %div3A_40 = arith.divf %broadcast_in_dim3A_37, %div3A_39 : vector<1x128xf32>
    %sub3A_41 = vector.broadcast %div3A_33 : vector<1x128xf32> to vector<16384x128xf32>
    %sub3A_42 = arith.subf %add3A_30, %sub3A_41 : vector<16384x128xf32>
    %add3A_43 = arith.constant 9.99999974E-6 : f32
    %add3A_44 = vector.broadcast %add3A_43 : f32 to vector<1x128xf32>
    %add3A_45 = arith.addf %div3A_40, %add3A_44 : vector<1x128xf32>
    %rsqrt3A = math.rsqrt %add3A_45 : vector<1x128xf32>
    %mul3A_46 = vector.broadcast %rsqrt3A : vector<1x128xf32> to vector<16384x128xf32>
    %mul3A_47 = arith.mulf %sub3A_42, %mul3A_46 : vector<16384x128xf32>
    %get3A_48 = arith.constant 0 : index
    %get3A_49 = arith.constant 0 : index
    %get3A_50 = vector.load %arg7[%get3A_48, %get3A_49] : memref<1x128xf32, #tpu.memory_space<vmem>>, vector<1x128xf32>
    %mul3A_51 = vector.broadcast %get3A_50 : vector<1x128xf32> to vector<16384x128xf32>
    %mul3A_52 = arith.mulf %mul3A_47, %mul3A_51 : vector<16384x128xf32>
    %get3A_53 = arith.constant 0 : index
    %get3A_54 = arith.constant 0 : index
    %get3A_55 = vector.load %arg8[%get3A_53, %get3A_54] : memref<1x128xf32, #tpu.memory_space<vmem>>, vector<1x128xf32>
    %add3A_56 = vector.broadcast %get3A_55 : vector<1x128xf32> to vector<16384x128xf32>
    %add3A_57 = arith.addf %mul3A_52, %add3A_56 : vector<16384x128xf32>
    %max3A = arith.constant 0.000000e+00 : f32
    %max3A_58 = vector.broadcast %max3A : f32 to vector<16384x128xf32>
    %max3A_59 = arith.maximumf %add3A_57, %max3A_58 : vector<16384x128xf32>
    %get3A_60 = arith.constant 0 : index
    %get3A_61 = arith.constant 0 : index
    %get3A_62 = vector.load %arg9[%get3A_60, %get3A_61] : memref<128x64xf32, #tpu.memory_space<vmem>>, vector<128x64xf32>
    %dot_general3A_63 = arith.constant dense<0.000000e+00> : vector<16384x64xf32>
    %dot_general3A_64 = tpu.matmul %max3A_59, %get3A_62, %dot_general3A_63 {dimension_numbers = #tpu.dot_dimension_numbers<[1], [0], [0], [1], [0, 0, 1, 1], [], []>, transpose_lhs_hint = false} : vector<16384x128xf32>, vector<128x64xf32>, vector<16384x64xf32> -> vector<16384x64xf32>
    %get3A_65 = arith.constant 0 : index
    %get3A_66 = arith.constant 0 : index
    %get3A_67 = vector.load %arg10[%get3A_65, %get3A_66] : memref<1x64xf32, #tpu.memory_space<vmem>>, vector<1x64xf32>
    %add3A_68 = vector.broadcast %get3A_67 : vector<1x64xf32> to vector<16384x64xf32>
    %add3A_69 = arith.addf %dot_general3A_64, %add3A_68 : vector<16384x64xf32>
    %reduce_sum3A_70 = arith.constant dense<0.000000e+00> : vector<64xf32>
    %reduce_sum3A_71 = vector.multi_reduction <add>, %add3A_69, %reduce_sum3A_70 [0] : vector<16384x64xf32> to vector<64xf32>
    %broadcast_in_dim3A_72 = vector.shape_cast %reduce_sum3A_71 : vector<64xf32> to vector<1x64xf32>
    %div3A_73 = arith.constant 1.638400e+04 : f32
    %div3A_74 = vector.broadcast %div3A_73 : f32 to vector<1x64xf32>
    %div3A_75 = arith.divf %broadcast_in_dim3A_72, %div3A_74 : vector<1x64xf32>
    %sub3A_76 = vector.broadcast %div3A_75 : vector<1x64xf32> to vector<16384x64xf32>
    %sub3A_77 = arith.subf %add3A_69, %sub3A_76 : vector<16384x64xf32>
    %square3A_78 = arith.mulf %sub3A_77, %sub3A_77 : vector<16384x64xf32>
    %reduce_sum3A_79 = arith.constant dense<0.000000e+00> : vector<64xf32>
    %reduce_sum3A_80 = vector.multi_reduction <add>, %square3A_78, %reduce_sum3A_79 [0] : vector<16384x64xf32> to vector<64xf32>
    %broadcast_in_dim3A_81 = vector.shape_cast %reduce_sum3A_80 : vector<64xf32> to vector<1x64xf32>
    %div3A_82 = arith.constant 1.638400e+04 : f32
    %div3A_83 = vector.broadcast %div3A_82 : f32 to vector<1x64xf32>
    %div3A_84 = arith.divf %broadcast_in_dim3A_81, %div3A_83 : vector<1x64xf32>
    %sub3A_85 = vector.broadcast %div3A_75 : vector<1x64xf32> to vector<16384x64xf32>
    %sub3A_86 = arith.subf %add3A_69, %sub3A_85 : vector<16384x64xf32>
    %add3A_87 = arith.constant 9.99999974E-6 : f32
    %add3A_88 = vector.broadcast %add3A_87 : f32 to vector<1x64xf32>
    %add3A_89 = arith.addf %div3A_84, %add3A_88 : vector<1x64xf32>
    %rsqrt3A_90 = math.rsqrt %add3A_89 : vector<1x64xf32>
    %mul3A_91 = vector.broadcast %rsqrt3A_90 : vector<1x64xf32> to vector<16384x64xf32>
    %mul3A_92 = arith.mulf %sub3A_86, %mul3A_91 : vector<16384x64xf32>
    %get3A_93 = arith.constant 0 : index
    %get3A_94 = arith.constant 0 : index
    %get3A_95 = vector.load %arg11[%get3A_93, %get3A_94] : memref<1x64xf32, #tpu.memory_space<vmem>>, vector<1x64xf32>
    %mul3A_96 = vector.broadcast %get3A_95 : vector<1x64xf32> to vector<16384x64xf32>
    %mul3A_97 = arith.mulf %mul3A_92, %mul3A_96 : vector<16384x64xf32>
    %get3A_98 = arith.constant 0 : index
    %get3A_99 = arith.constant 0 : index
    %get3A_100 = vector.load %arg12[%get3A_98, %get3A_99] : memref<1x64xf32, #tpu.memory_space<vmem>>, vector<1x64xf32>
    %add3A_101 = vector.broadcast %get3A_100 : vector<1x64xf32> to vector<16384x64xf32>
    %add3A_102 = arith.addf %mul3A_97, %add3A_101 : vector<16384x64xf32>
    %max3A_103 = arith.constant 0.000000e+00 : f32
    %max3A_104 = vector.broadcast %max3A_103 : f32 to vector<16384x64xf32>
    %max3A_105 = arith.maximumf %add3A_102, %max3A_104 : vector<16384x64xf32>
    %get3A_106 = arith.constant 0 : index
    %get3A_107 = arith.constant 0 : index
    %get3A_108 = vector.load %arg13[%get3A_106, %get3A_107] : memref<64x1xf32, #tpu.memory_space<vmem>>, vector<64x1xf32>
    %dot_general3A_109 = arith.constant dense<0.000000e+00> : vector<16384x1xf32>
    %dot_general3A_110 = tpu.matmul %max3A_105, %get3A_108, %dot_general3A_109 {dimension_numbers = #tpu.dot_dimension_numbers<[1], [0], [0], [1], [0, 0, 1, 1], [], []>, transpose_lhs_hint = false} : vector<16384x64xf32>, vector<64x1xf32>, vector<16384x1xf32> -> vector<16384x1xf32>
    %get3A_111 = arith.constant 0 : index
    %get3A_112 = arith.constant 0 : index
    %get3A_113 = vector.load %arg14[%get3A_111, %get3A_112] : memref<1x1xf32, #tpu.memory_space<vmem>>, vector<1x1xf32>
    %add3A_114 = vector.broadcast %get3A_113 : vector<1x1xf32> to vector<16384x1xf32>
    %add3A_115 = arith.addf %dot_general3A_110, %add3A_114 : vector<16384x1xf32>
    %logistic3A = arith.negf %add3A_115 : vector<16384x1xf32>
    %logistic3A_116 = math.exp %logistic3A : vector<16384x1xf32>
    %logistic3A_117 = arith.constant 1.000000e+00 : f32
    %logistic3A_118 = vector.broadcast %logistic3A_117 : f32 to vector<16384x1xf32>
    %logistic3A_119 = arith.addf %logistic3A_118, %logistic3A_116 : vector<16384x1xf32>
    %logistic3A_120 = arith.divf %logistic3A_118, %logistic3A_119 : vector<16384x1xf32>
    %swap3A = arith.constant 0 : index
    %swap3A_121 = arith.constant 0 : index
    %swap3A_122 = vector.load %arg15[%swap3A, %swap3A_121] : memref<16384x1xf32, #tpu.memory_space<vmem>>, vector<16384x1xf32>
    tpu.vector_store %arg15[%swap3A, %swap3A_121], %logistic3A_120 {strides = array<i32>} : memref<16384x1xf32, #tpu.memory_space<vmem>>, vector<16384x1xf32>,
    return
  }
}

</mosaic_0001>

<sc_bundles>
// kernel: kernel.6.cloned.1.call-start
scs
__scs_entry_jumppad:
0x0: {  	(pc) =	sbr.rel $0x88, $3  }
0x1: {  	(tag) =	ssettag $0x0;
	lr =	simm.s32 $0x1  }
0x2: {  	[smem:$0x3F93] =	sst lr;
	_ =	strace $0xD0000000  }
0x3: {  	_ = 	snop  }
0x4: {  	_ = 	snop  }
0x5: {  	_ = 	snop  }
0x6: {  	_ = 	snop  }
0x7: {  	_ = 	snop  }
__scs_overlays_trampoline_lowered:
0x8: {  	[smem:$0x3FA2] =	sst s0  }
0x9: {  	[smem:$0x3FA3] =	sst s1  }
0xa: {  	[smem:$0x3FA4] =	sst s2  }
0xb: {  	[smem:$0x3FA5] =	sst s3  }
0xc: {  	[smem:$0x3FA6] =	sst s4  }
0xd: {  	[smem:$0x3FA7] =	sst s5  }
0xe: {  	[smem:$0x3FA8] =	sst s6  }
0xf: {  	[smem:$0x3FA9] =	sst s7  }
0x10: {  	[smem:$0x3FAA] =	sst s8  }
0x11: {  	[smem:$0x3FAB] =	sst s9;
	s0 =	simm.s32 @!p0 $0x0  }
0x12: {  	s1 =	sld [smem:$0x3F91];
	s0 =	simm.s32 @p0 $0x1  }
0x13: {  	[smem:$0x3FAC] =	sst s0;
	s0 =	simm.s32 @!p1 $0x0  }
0x14: {  	s2 =	sld [smem:$0x3F90];
	s0 =	simm.s32 @p1 $0x1  }
0x15: {  	[smem:$0x3FAD] =	sst s0;
	s0 =	simm.s32 @!p2 $0x0  }
0x16: {  	s3 =	sld [smem:$0x3FDB];
	s0 =	simm.s32 @p2 $0x1  }
0x17: {  	s4 =	simm.s32 $0x1BF5;
	[smem:$0x3FAF] =	sst s0  }
0x18: {  	s0 =	sld [smem:$0x3F92];
	_ =	swait.ge [sflag:s4], $0x0  }
0x19: {  	s7 =	sld [smem:$0x3F93]  }
0x1a: {  	s8 =	sadd.s32 $0xFFFFE003, lr  }
0x1b: {  	s9 =	sadd.s32 $0xFFFFFEF7, lr;
	s5 =	simm.s32 $0xFFFFFFFF;
	p2 =	slt.u32 s8, $0xFFFFF086  }
0x1c: {  	p1 =	slt.u32 s9, $0xF7A;
	s5 =	simm.s32 @!p2 $0x0  }
0x1d: {  	s5 =	simm.s32 @p1 $0x1;
	p0 =	seq.s32 s7, s2  }
0x1e: {  	s7 =	smul.u32 @!p0 $0xF7A, s2;
	p2 =	seq.s32 @!p0 s5, $0x0  }
0x1f: {  	s9 =	smul.u32 $0xF7A, s1;
	s8 =	simm.s32 @!p0 $0x1BF5;
	p2 =	por !p2, p0  }
0x20: {  	[sflag:s8] =	ssyncset.s32 @!p0 $0xFFFFF086;
	s6 =	sadd.s32 @!p0 s3, s7;
	s7 =	simm.s32 @!p0 $0x108  }
0x21: {  	s3 =	sadd.s32 s3, s9;
	s6 =	sadd.s32 @!p0 $0x88, s6;
	s7 =	simm.s32 @p2 $0x1082  }
0x22: {  	[simem:s7], [sflag:s8] =	dma.local @!p0 [hbm:s6], $0xF7A  }
0x23: {  	s9 =	sor.u32 $0xD0000000, s2;
	s6 =	simm.s32 $0x108;
	_ =	swait.ge @!p0 [sflag:s8], $0x0  }
0x24: {  	s3 =	sadd.s32 $0x88, s3;
	s6 =	simm.s32 @!p1 $0x1082;
	[sflag:s4] =	ssyncset.s32 $0xFFFFF086  }
0x25: {  	[simem:s6], [sflag:s4] =	dma.local [hbm:s3], $0xF7A  }
0x26: {  	[smem:$0x3F93] =	sst s1;
	(tag) =	ssettag s2;
	_ =	strace s9  }
0x27: {  	s1 =	sld [smem:$0x3FA3]  }
0x28: {  	s2 =	sld [smem:$0x3FA4]  }
0x29: {  	s4 =	sld [smem:$0x3FA6]  }
0x2a: {  	p0 =	seq.s32 s5, $0x0;
	s5 =	sld [smem:$0x3FA7]  }
0x2b: {  	s6 =	sld [smem:$0x3FA8]  }
0x2c: {  	s7 =	sld [smem:$0x3FA9]  }
0x2d: {  	s3 =	simm.s32 $0x108;
	s8 =	sld [smem:$0x3FAA]  }
0x2e: {  	s3 =	simm.s32 @!p0 $0x1082;
	s9 =	sld [smem:$0x3FAB]  }
0x2f: {  	lr =	sadd.s32 s0, s3;
	s0 =	sld [smem:$0x3FA2]  }
0x30: {  	s3 =	sld [smem:$0x3FA5]  }
0x31: {  	[smem:$0x3FAE] =	sst s10  }
0x32: {  	s10 =	sld [smem:$0x3FAC];
	_ =	sdelay $0x3  }
0x33: {  	p0 =	seq.s32 s10, $0x1;
	s10 =	sld [smem:$0x3FAE];
	_ =	sdelay $0x3  }
0x34: {  	[smem:$0x3FAE] =	sst s10  }
0x35: {  	s10 =	sld [smem:$0x3FAD];
	_ =	sdelay $0x3  }
0x36: {  	p1 =	seq.s32 s10, $0x1;
	s10 =	sld [smem:$0x3FAE];
	_ =	sdelay $0x3  }
0x37: {  	[smem:$0x3FAE] =	sst s10  }
0x38: {  	s10 =	sld [smem:$0x3FAF]  }
0x39: {  	_ = 	snop;
	(pc) =	sbr.ind lr, $3  }
0x3a: {  	_ = 	snop  }
0x3b: {  	_ = 	snop  }
0x3c: {  	p2 =	seq.s32 s10, $0x1;
	s10 =	sld [smem:$0x3FAE]  }
0x3d: {  	_ =	shalt  }
0x3e: {  	_ =	shalt  }
0x3f: {  	_ =	shalt  }
0x40: {  	_ =	shalt  }
0x41: {  	_ =	shalt  }
0x42: {  	_ =	shalt  }
0x43: {  	_ =	shalt  }
0x44: {  	_ =	shalt  }
0x45: {  	_ =	shalt  }
0x46: {  	_ =	shalt  }
0x47: {  	_ =	shalt  }
0x48: {  	_ =	shalt  }
0x49: {  	_ =	shalt  }
0x4a: {  	_ =	shalt  }
0x4b: {  	_ =	shalt  }
0x4c: {  	_ =	shalt  }
0x4d: {  	_ =	shalt  }
0x4e: {  	_ =	shalt  }
0x4f: {  	_ =	shalt  }
0x50: {  	_ =	shalt  }
0x51: {  	_ =	shalt  }
0x52: {  	_ =	shalt  }
0x53: {  	_ =	shalt  }
0x54: {  	_ =	shalt  }
0x55: {  	_ =	shalt  }
0x56: {  	_ =	shalt  }
0x57: {  	_ =	shalt  }
0x58: {  	_ =	shalt  }
0x59: {  	_ =	shalt  }
0x5a: {  	_ =	shalt  }
0x5b: {  	_ =	shalt  }
0x5c: {  	_ =	shalt  }
0x5d: {  	_ =	shalt  }
0x5e: {  	_ =	shalt  }
0x5f: {  	_ =	shalt  }
0x60: {  	_ =	shalt  }
0x61: {  	_ =	shalt  }
0x62: {  	_ =	shalt  }
0x63: {  	_ =	shalt  }
0x64: {  	_ =	shalt  }
0x65: {  	_ =	shalt  }
0x66: {  	_ =	shalt  }
0x67: {  	_ =	shalt  }
0x68: {  	_ =	shalt  }
0x69: {  	_ =	shalt  }
0x6a: {  	_ =	shalt  }
0x6b: {  	_ =	shalt  }
0x6c: {  	_ =	shalt  }
0x6d: {  	_ =	shalt  }
0x6e: {  	_ =	shalt  }
0x6f: {  	_ =	shalt  }
0x70: {  	_ =	shalt  }
0x71: {  	_ =	shalt  }
0x72: {  	_ =	shalt  }
0x73: {  	_ =	shalt  }
0x74: {  	_ =	shalt  }
0x75: {  	_ =	shalt  }
0x76: {  	_ =	shalt  }
0x77: {  	_ =	shalt  }
0x78: {  	_ =	shalt  }
0x79: {  	_ =	shalt  }
0x7a: {  	_ =	shalt  }
0x7b: {  	_ =	shalt  }
0x7c: {  	_ =	shalt  }
0x7d: {  	_ =	shalt  }
0x7e: {  	_ =	shalt  }
0x7f: {  	_ =	shalt  }
0x80: {  	_ =	shalt  }
0x81: {  	_ =	shalt  }
0x82: {  	_ =	shalt  }
0x83: {  	_ =	shalt  }
0x84: {  	_ =	shalt  }
0x85: {  	_ =	shalt  }
0x86: {  	_ =	shalt  }
0x87: {  	_ =	shalt  }
.Lfunc_end0:
.L_simem_size_0:
called_computation_lowered:
.L_overlay_start_0:
0x88: {  	s2 =	sld [smem:$0x3FD9]  }
0x89: {  	s3 =	sld [smem:$0x3FFE];
	_ =	sdelay $0x1  }
0x8a: {  	s1 =	srdreg.scid  }
0x8b: {  	s0 =	sand.u32 $0x1, s1  }
0x8c: {  	s17 =	sshll.u32 s0, $0xA;
	s2 =	sadd.s32 s3, s2  }
0x8d: {  	s2 =	sadd.s32 s2, s17  }
0x8e: {  	[smem:$0x3FBA] =	sst s2  }
0x8f: {  	_ = 	snop  }
0x90: {  	s2 =	sld [smem:$0x3FC9]  }
0x91: {  	s18 =	sld [smem:$0x3FC8];
	(tm) =	ssettm $0x1  }
0x92: {  	s4 =	sld [smem:$0x3FFB];
	_ =	sdelay $0x3  }
0x93: {  	_ =	strace s4  }
0x94: {  	s4 =	sld [smem:$0x3FFC];
	_ =	sdelay $0x3  }
0x95: {  	_ =	strace s4  }
0x96: {  	s4 =	sld [smem:$0x3FFD];
	_ =	sdelay $0x3  }
0x97: {  	_ =	strace s4  }
0x98: {  	_ =	strace $0x8FFFFFFF  }
0x99: {  	s19 =	sld [smem:$0x3FDB];
	_ =	sdelay $0x1  }
0x9a: {  	s5 =	simm.s32 $_scs_section_size  }
0x9b: {  	s6 =	simm.s32 $_size__tile_overlayer_lowered;
	s7 =	simm.s32 $_tile_overlayer_lowered  }
0x9c: {  	s22 =	simm.s32 $0x1BFF;
	s21 =	sshll.u32 s7, $0x1;
	s4 =	sadd.s32 s5, s19  }
0x9d: {  	s8 =	simm.s32 $0x0;
	s20 =	sshll.u32 s6, $0x1;
	s6 =	sadd.s32 s21, s4  }
0x9e: {  	[timem:s8], [sflag:s22] =	dma.local [hbm:s6], s20  }
0x9f: {  	_ =	swait.ge [sflag:s22], s20  }
0xa0: {  	s5 =	ssub.s32 $0x0, s20;
	[sflag:s22] =	ssyncset.done $0x0  }
0xa1: {  	[sflag:s22] =	ssyncadd.s32 s5;
	_ =	sdelay $0x1  }
0xa2: {  	s23 =	simm.s32 $0x1B8B  }
0xa3: {  	_ =	swait.ge [sflag:s23], $0x1  }
0xa4: {  	[sflag:s23] =	ssyncset.done $0x0  }
0xa5: {  	s25 =	simm.s32 $0x1B8E;
	s24 =	sld [smem:$0x3FFE];
	[sflag:s23] =	ssyncadd.s32 $0xFFFFFFFF  }
0xa6: {  	s26 =	simm.s32 $execute0_lowered;
	[smem:$0x3FD2] =	sst s25  }
0xa7: {  	s6 =	sshll.u32 s26, $0x1;
	_ =	strace $0x80000046;
	[dreg:$0x1] =	wrdreg $0xFFFFFFFF  }
0xa8: {  	s28 =	simm.s32 $_size_execute0_lowered;
	s4 =	sadd.s32 s4, s6;
	[dreg:$0x0] =	wrdreg $0x0  }
0xa9: {  	s6 =	sshll.u32 s28, $0x1;
	[dreg:$0x2] =	wrdreg s4  }
0xaa: {  	[dreg:$0x3] =	wrdreg s6  }
0xab: {  	[dreg:$0x4] =	wrdreg $0xC0  }
0xac: {  	_ =	task [dreg:s8], $0x5FFFF  }
0xad: {  	[dreg:$0x1] =	wrdreg $0xFFFFFFFF  }
0xae: {  	[dreg:$0x0] =	wrdreg $0x60  }
0xaf: {  	[dreg:$0x2] =	wrdreg s2  }
0xb0: {  	[dreg:$0x3] =	wrdreg s18  }
0xb1: {  	[dreg:$0x4] =	wrdreg s24  }
0xb2: {  	[dreg:$0x5] =	wrdreg $0x9  }
0xb3: {  	_ =	task.clear_ibuf [dreg:s8], $0x6FFFF;
	_ =	strace $0x90000046  }
0xb4: {  	s29 =	simm.s32 $0x9;
	_ =	strace $0x80000048  }
0xb5: {  	_ =	swait.ge [sflag:s29], $0x1  }
0xb6: {  	[sflag:s29] =	ssyncadd.s32 $0xFFFFFFFF  }
0xb7: {  	_ =	strace $0x90000048  }
0xb8: {  	_ =	sfence  }
0xb9: {  	s30 =	sld [smem:$0x0];
	_ =	sdelay $0x2  }
0xba: {  	s31 =	sshll.u32 s1, $0xD;
	s1 =	sshrl.u32 s1, $0x2  }
0xbb: {  	s3 =	sand.u32 $0x4000, s31;
	s1 =	sadd.s32 s1, s30  }
0xbc: {  	s0 =	sor.u32 s3, s0;
	s1 =	sshll.u32 s1, $0x11  }
0xbd: {  	s0 =	sor.u32 s1, s0  }
0xbe: {  	s0 =	sadd.s32 $0x8F2B, s0  }
0xbf: {  	[sflag:s0] =	ssyncadd.remote.s32 $0x1  }
0xc0: {  	_ =	sfence.sel $0xFFFF  }
0xc1: {  	[dreg:$0x0] =	wrdreg $0xFFFFFFFF;
	(pc) =	sbr.abs _section_cstart, $3  }
0xc2: {  	[dreg:$0x1] =	wrdreg $0xFFFFFFFF  }
0xc3: {  	_ =	task.clear_ibuf [dreg:s8], $0x2FFFF;
	_ =	strace $0x9FFFFFFF  }
0xc4: {  	(tm) =	ssettm $0x7FFFFFFF  }
0xc5: {  	_ =	shalt  }
tec
execute0_lowered:
.L_overlay_start_1:
0x0: {  	(tag) =	ssettag $0x1  }
0x1: {  	s8 =	rddreg [dreg:$0x0]  }
0x2: {  	s13 =	rddreg [dreg:$0x1]  }
0x3: {  	s5 =	rddreg [dreg:$0x2]  }
0x4: {  	s0 =	rddreg [dreg:$0x3];
	s2 =	simm.s32 $0x0;
	s3 =	srdreg.scid  }
0x5: {  	s1 =	stileid.u32;
	s17 =	simm.s32 $0x80;
	s18 =	simm.s32 $0x100  }
0x6: {  	s19 =	simm.s32 $0x180;
	s20 =	simm.s32 $0x200;
	s21 =	simm.s32 $0x400  }
0x7: {  	s22 =	simm.s32 $0x280;
	s23 =	simm.s32 $0x4400;
	s24 =	simm.s32 $0x300  }
0x8: {  	s25 =	simm.s32 $0x8400;
	s26 =	simm.s32 $0x380;
	s28 =	simm.s32 $0xC400  }
0x9: {  	s29 =	simm.s32 $0x1;
	[smem:$0x7FF] =	sst s2;
	s4 =	sand.u32 $0x1, s3  }
0xa: {  	s6 =	sshll.u32 s1, $0xA;
	s3 =	sadd.s32 $0x2200, s5;
	s7 =	sshll.u32 s4, $0x9  }
0xb: {  	_ =	strace $0x80000047;
	s30 =	ssub.s32 $0x2, s4;
	s6 =	sor.u32 s7, s6  }
0xc: {  	s4 =	sadd.s32 $0x7AA200, s5;
	s10 =	sshrl.u32 s30, $0x1;
	s9 =	sshll.u32 s6, $0x4  }
0xd: {  	s15 =	ssub.s32 s30, s10;
	s31 =	sshrl.u32 s6, $0x3;
	s14 =	sadd.s32 s9, s5  }
0xe: {  	s5 =	sadd.s32 s8, s31;
	s11 =	sor.u32 $0x10, s31;
	s12 =	sor.u32 $0x20, s31  }
0xf: {  	s16 =	sor.u32 $0x30, s31;
	s10 =	sadd.s32 s13, s31;
	s15 =	smax.u32 s15, $0x1  }
0x10: {  	s6 =	sadd.s32 s8, s11;
	s7 =	sadd.s32 s8, s12;
	s8 =	sadd.s32 s8, s16  }
0x11: {  	s9 =	sadd.s32 $0xF52200, s14;
	s11 =	sadd.s32 s13, s11;
	s12 =	sadd.s32 s13, s12  }
0x12: {  	s13 =	sadd.s32 s13, s16;
	s14 =	sadd.s32 $0xF92200, s14;
	s16 =	simm.s32 $0x2  }
.LBB2_1:
0x13: {  	[tilespmem:s2], [sflag:$0x2] =	stream.linear.gather [hbm4b:s5+s2], $0x80, $0x38;
	[tilespmem:$0x10400] =	vst v63  }
0x14: {  	_ =	swait.ge [sflag:s16], $0x80  }
0x15: {  	[sflag:s16] =	ssyncset.done $0x0  }
0x16: {  	[sflag:s16] =	ssyncadd.s32 $0xFFFFFF80  }
0x17: {  	[tilespmem:s17], [sflag:$0x2] =	stream.linear.gather [hbm4b:s6+s2], $0x80, $0x38;
	[tilespmem:$0x10400] =	vst v63  }
0x18: {  	_ =	swait.ge [sflag:s16], $0x80  }
0x19: {  	[sflag:s16] =	ssyncset.done $0x0  }
0x1a: {  	[sflag:s16] =	ssyncadd.s32 $0xFFFFFF80  }
0x1b: {  	[tilespmem:s18], [sflag:$0x2] =	stream.linear.gather [hbm4b:s7+s2], $0x80, $0x38;
	[tilespmem:$0x10400] =	vst v63  }
0x1c: {  	_ =	swait.ge [sflag:s16], $0x80  }
0x1d: {  	[sflag:s16] =	ssyncset.done $0x0  }
0x1e: {  	[sflag:s16] =	ssyncadd.s32 $0xFFFFFF80  }
0x1f: {  	[tilespmem:s19], [sflag:$0x2] =	stream.linear.gather [hbm4b:s8+s2], $0x80, $0x38;
	[tilespmem:$0x10400] =	vst v63  }
0x20: {  	_ =	swait.ge [sflag:s16], $0x80  }
0x21: {  	[sflag:s16] =	ssyncset.done $0x0  }
0x22: {  	[sflag:s16] =	ssyncadd.s32 $0xFFFFFF80  }
0x23: {  	v0 =	vld [tilespmem:$0x0]  }
0x24: {  	v1 =	vld [tilespmem:$0x10]  }
0x25: {  	v2 =	vld [tilespmem:$0x20]  }
0x26: {  	v3 =	vld [tilespmem:$0x30]  }
0x27: {  	v4 =	vld [tilespmem:$0x40]  }
0x28: {  	v6 =	vld [tilespmem:$0x50];
	vm0 =	vlt.s32 v0, $0x7A800;
	v5 =	vadd.s32 $0xFFF85800, v0  }
0x29: {  	v7 =	vld [tilespmem:$0x60];
	vm13 =	vlt.s32 v1, $0x7A800;
	v47 =	vadd.s32 $0xFFF85800, v1;
	v0 =	vsel vm0, v0, v5  }
0x2a: {  	v50 =	vld [tilespmem:$0x70];
	vm14 =	vlt.s32 v2, $0x7A800;
	v49 =	vadd.s32 $0xFFF85800, v2;
	v48 =	vsel vm13, v1, v47;
	[tilespmem:$0x200] =	vst v0  }
0x2b: {  	v53 =	vld [tilespmem:$0x80];
	vm15 =	vlt.s32 v3, $0x7A800;
	v52 =	vadd.s32 $0xFFF85800, v3;
	v51 =	vsel vm14, v2, v49;
	[tilespmem:$0x210] =	vst v48  }
0x2c: {  	v56 =	vld [tilespmem:$0x90];
	vm4 =	vlt.s32 v4, $0x7A800;
	v55 =	vadd.s32 $0xFFF85800, v4;
	v54 =	vsel vm15, v3, v52;
	[tilespmem:$0x220] =	vst v51  }
0x2d: {  	v59 =	vld [tilespmem:$0xA0];
	vm5 =	vlt.s32 v6, $0x7A800;
	v58 =	vadd.s32 $0xFFF85800, v6;
	v57 =	vsel vm4, v4, v55;
	[tilespmem:$0x230] =	vst v54  }
0x2e: {  	v62 =	vld [tilespmem:$0xB0];
	vm6 =	vlt.s32 v7, $0x7A800;
	v61 =	vadd.s32 $0xFFF85800, v7;
	v60 =	vsel vm5, v6, v58;
	[tilespmem:$0x240] =	vst v57  }
0x2f: {  	v10 =	vld [tilespmem:$0xC0];
	vm7 =	vlt.s32 v50, $0x7A800;
	v9 =	vadd.s32 $0xFFF85800, v50;
	v63 =	vsel vm6, v7, v61;
	[tilespmem:$0x250] =	vst v60  }
0x30: {  	v13 =	vld [tilespmem:$0xD0];
	vm8 =	vlt.s32 v53, $0x7A800;
	v12 =	vadd.s32 $0xFFF85800, v53;
	v11 =	vsel vm7, v50, v9;
	[tilespmem:$0x260] =	vst v63  }
0x31: {  	v16 =	vld [tilespmem:$0xE0];
	vm9 =	vlt.s32 v56, $0x7A800;
	v15 =	vadd.s32 $0xFFF85800, v56;
	v14 =	vsel vm8, v53, v12;
	[tilespmem:$0x270] =	vst v11  }
0x32: {  	v19 =	vld [tilespmem:$0xF0];
	vm10 =	vlt.s32 v59, $0x7A800;
	v18 =	vadd.s32 $0xFFF85800, v59;
	v17 =	vsel vm9, v56, v15;
	[tilespmem:$0x280] =	vst v14  }
0x33: {  	v22 =	vld [tilespmem:$0x100];
	vm11 =	vlt.s32 v62, $0x7A800;
	v21 =	vadd.s32 $0xFFF85800, v62;
	v20 =	vsel vm10, v59, v18;
	[tilespmem:$0x290] =	vst v17  }
0x34: {  	v25 =	vld [tilespmem:$0x110];
	vm12 =	vlt.s32 v10, $0x7A800;
	v24 =	vadd.s32 $0xFFF85800, v10;
	v23 =	vsel vm11, v62, v21;
	[tilespmem:$0x2A0] =	vst v20  }
0x35: {  	v28 =	vld [tilespmem:$0x120];
	v27 =	vadd.s32 $0xFFF85800, v13;
	v26 =	vsel vm12, v10, v24;
	vm13 =	vlt.s32 v13, $0x7A800;
	[tilespmem:$0x2B0] =	vst v23  }
0x36: {  	v31 =	vld [tilespmem:$0x130];
	v30 =	vadd.s32 $0xFFF85800, v16;
	vm14 =	vlt.s32 v16, $0x7A800;
	[tilespmem:$0x2C0] =	vst v26;
	v29 =	vsel vm13, v13, v27  }
0x37: {  	v34 =	vld [tilespmem:$0x140];
	v33 =	vadd.s32 $0xFFF85800, v19;
	vm15 =	vlt.s32 v19, $0x7A800;
	v32 =	vsel vm14, v16, v30;
	[tilespmem:$0x2D0] =	vst v29  }
0x38: {  	v37 =	vld [tilespmem:$0x150];
	v36 =	vadd.s32 $0xFFF85800, v22;
	vm4 =	vlt.s32 v22, $0x7A800;
	v35 =	vsel vm15, v19, v33;
	[tilespmem:$0x2E0] =	vst v32  }
0x39: {  	v40 =	vld [tilespmem:$0x160];
	v39 =	vadd.s32 $0xFFF85800, v25;
	vm5 =	vlt.s32 v25, $0x7A800;
	v38 =	vsel vm4, v22, v36;
	[tilespmem:$0x2F0] =	vst v35  }
0x3a: {  	v43 =	vld [tilespmem:$0x170];
	v42 =	vadd.s32 $0xFFF85800, v28;
	vm6 =	vlt.s32 v28, $0x7A800;
	v41 =	vsel vm5, v25, v39;
	[tilespmem:$0x300] =	vst v38  }
0x3b: {  	v46 =	vld [tilespmem:$0x180];
	v45 =	vadd.s32 $0xFFF85800, v31;
	vm7 =	vlt.s32 v31, $0x7A800;
	v44 =	vsel vm6, v28, v42;
	[tilespmem:$0x310] =	vst v41  }
0x3c: {  	vm8 =	vlt.s32 v34, $0x7A800;
	v49 =	vld [tilespmem:$0x190];
	v47 =	vsel vm7, v31, v45;
	v48 =	vadd.s32 $0xFFF85800, v34;
	[tilespmem:$0x320] =	vst v44  }
0x3d: {  	vm9 =	vlt.s32 v37, $0x7A800;
	v52 =	vld [tilespmem:$0x1A0];
	v51 =	vadd.s32 $0xFFF85800, v37;
	[tilespmem:$0x330] =	vst v47;
	v50 =	vsel vm8, v34, v48  }
0x3e: {  	vm10 =	vlt.s32 v40, $0x7A800;
	v55 =	vld [tilespmem:$0x1B0];
	v54 =	vadd.s32 $0xFFF85800, v40;
	v53 =	vsel vm9, v37, v51;
	[tilespmem:$0x340] =	vst v50  }
0x3f: {  	vm11 =	vlt.s32 v43, $0x7A800;
	v58 =	vld [tilespmem:$0x1C0];
	v57 =	vadd.s32 $0xFFF85800, v43;
	v56 =	vsel vm10, v40, v54;
	[tilespmem:$0x350] =	vst v53  }
0x40: {  	vm12 =	vlt.s32 v46, $0x7A800;
	v61 =	vld [tilespmem:$0x1D0];
	v60 =	vadd.s32 $0xFFF85800, v46;
	v59 =	vsel vm11, v43, v57;
	[tilespmem:$0x360] =	vst v56  }
0x41: {  	v9 =	vld [tilespmem:$0x1E0];
	v62 =	vsel vm12, v46, v60;
	[tilespmem:$0x370] =	vst v59;
	vm13 =	vlt.s32 v49, $0x7A800;
	v63 =	vadd.s32 $0xFFF85800, v49  }
0x42: {  	v12 =	vld [tilespmem:$0x1F0];
	[tilespmem:$0x380] =	vst v62;
	vm14 =	vlt.s32 v52, $0x7A800;
	v11 =	vadd.s32 $0xFFF85800, v52;
	v10 =	vsel vm13, v49, v63  }
0x43: {  	vm15 =	vlt.s32 v55, $0x7A800;
	v14 =	vadd.s32 $0xFFF85800, v55;
	v13 =	vsel vm14, v52, v11;
	[tilespmem:$0x390] =	vst v10  }
0x44: {  	vm4 =	vlt.s32 v58, $0x7A800;
	v16 =	vadd.s32 $0xFFF85800, v58;
	v15 =	vsel vm15, v55, v14;
	[tilespmem:$0x3A0] =	vst v13  }
0x45: {  	vm5 =	vlt.s32 v61, $0x7A800;
	v18 =	vadd.s32 $0xFFF85800, v61;
	v17 =	vsel vm4, v58, v16;
	[tilespmem:$0x3B0] =	vst v15  }
0x46: {  	vm6 =	vlt.s32 v9, $0x7A800;
	v20 =	vadd.s32 $0xFFF85800, v9;
	v19 =	vsel vm5, v61, v18;
	[tilespmem:$0x3C0] =	vst v17  }
0x47: {  	vm7 =	vlt.s32 v12, $0x7A800;
	v22 =	vadd.s32 $0xFFF85800, v12;
	v21 =	vsel vm6, v9, v20;
	[tilespmem:$0x3D0] =	vst v19  }
0x48: {  	v23 =	vsel vm7, v12, v22;
	[tilespmem:$0x3E0] =	vst v21  }
0x49: {  	[tilespmem:$0x3F0] =	vst v23  }
0x4a: {  	[tilespmem:s21], [sflag:$0x1] =	stream.indirect.gather [hbm4b:s3+s17], $0x80, s20, s17, $0xb8;
	[tilespmem:$0x10400] =	vst v63  }
0x4b: {  	_ = 	snop  }
0x4c: {  	[tilespmem:s23], [sflag:$0x1] =	stream.indirect.gather [hbm4b:s3+s17], $0x80, s22, s17, $0xb8;
	[tilespmem:$0x10400] =	vst v63  }
0x4d: {  	_ = 	snop  }
0x4e: {  	[tilespmem:s25], [sflag:$0x1] =	stream.indirect.gather [hbm4b:s3+s17], $0x80, s24, s17, $0xb8;
	[tilespmem:$0x10400] =	vst v63  }
0x4f: {  	_ = 	snop  }
0x50: {  	[tilespmem:s28], [sflag:$0x1] =	stream.indirect.gather [hbm4b:s3+s17], $0x80, s26, s17, $0xb8;
	[tilespmem:$0x10400] =	vst v63  }
0x51: {  	_ =	swait.ge [sflag:s29], $0x10000  }
0x52: {  	[sflag:s29] =	ssyncset.done $0x0  }
0x53: {  	[sflag:s29] =	ssyncadd.s32 $0xFFFF0000  }
0x54: {  	[hbm4b:s9+s2] =	stream.linear.scatter [tilespmem:s21], [sflag:$0x2], $0x10000, $0x38;
	[tilespmem:$0x10400] =	vst v63  }
0x55: {  	_ =	swait.ge [sflag:s16], $0x10000  }
0x56: {  	[sflag:s16] =	ssyncset.done $0x0  }
0x57: {  	[sflag:s16] =	ssyncadd.s32 $0xFFFF0000  }
0x58: {  	[tilespmem:s2], [sflag:$0x2] =	stream.linear.gather [hbm4b:s10+s2], $0x80, $0x38;
	[tilespmem:$0x10400] =	vst v63  }
0x59: {  	_ =	swait.ge [sflag:s16], $0x80  }
0x5a: {  	[sflag:s16] =	ssyncset.done $0x0  }
0x5b: {  	[sflag:s16] =	ssyncadd.s32 $0xFFFFFF80  }
0x5c: {  	[tilespmem:s17], [sflag:$0x2] =	stream.linear.gather [hbm4b:s11+s2], $0x80, $0x38;
	[tilespmem:$0x10400] =	vst v63  }
0x5d: {  	_ =	swait.ge [sflag:s16], $0x80  }
0x5e: {  	[sflag:s16] =	ssyncset.done $0x0  }
0x5f: {  	[sflag:s16] =	ssyncadd.s32 $0xFFFFFF80  }
0x60: {  	[tilespmem:s18], [sflag:$0x2] =	stream.linear.gather [hbm4b:s12+s2], $0x80, $0x38;
	[tilespmem:$0x10400] =	vst v63  }
0x61: {  	_ =	swait.ge [sflag:s16], $0x80  }
0x62: {  	[sflag:s16] =	ssyncset.done $0x0  }
0x63: {  	[sflag:s16] =	ssyncadd.s32 $0xFFFFFF80  }
0x64: {  	[tilespmem:s19], [sflag:$0x2] =	stream.linear.gather [hbm4b:s13+s2], $0x80, $0x38;
	[tilespmem:$0x10400] =	vst v63  }
0x65: {  	_ =	swait.ge [sflag:s16], $0x80  }
0x66: {  	[sflag:s16] =	ssyncset.done $0x0  }
0x67: {  	[sflag:s16] =	ssyncadd.s32 $0xFFFFFF80  }
0x68: {  	v24 =	vld [tilespmem:$0x0]  }
0x69: {  	v25 =	vld [tilespmem:$0x10]  }
0x6a: {  	v26 =	vld [tilespmem:$0x20]  }
0x6b: {  	v27 =	vld [tilespmem:$0x30]  }
0x6c: {  	v28 =	vld [tilespmem:$0x40]  }
0x6d: {  	v30 =	vld [tilespmem:$0x50];
	vm8 =	vlt.s32 v24, $0x7A800;
	v29 =	vadd.s32 $0xFFF85800, v24  }
0x6e: {  	v32 =	vld [tilespmem:$0x60];
	vm9 =	vlt.s32 v25, $0x7A800;
	v31 =	vadd.s32 $0xFFF85800, v25;
	v0 =	vsel vm8, v24, v29  }
0x6f: {  	v35 =	vld [tilespmem:$0x70];
	vm10 =	vlt.s32 v26, $0x7A800;
	v34 =	vadd.s32 $0xFFF85800, v26;
	v33 =	vsel vm9, v25, v31;
	[tilespmem:$0x200] =	vst v0  }
0x70: {  	v38 =	vld [tilespmem:$0x80];
	vm11 =	vlt.s32 v27, $0x7A800;
	v37 =	vadd.s32 $0xFFF85800, v27;
	v36 =	vsel vm10, v26, v34;
	[tilespmem:$0x210] =	vst v33  }
0x71: {  	v41 =	vld [tilespmem:$0x90];
	vm12 =	vlt.s32 v28, $0x7A800;
	v40 =	vadd.s32 $0xFFF85800, v28;
	v39 =	vsel vm11, v27, v37;
	[tilespmem:$0x220] =	vst v36  }
0x72: {  	v44 =	vld [tilespmem:$0xA0];
	vm13 =	vlt.s32 v30, $0x7A800;
	v43 =	vadd.s32 $0xFFF85800, v30;
	v42 =	vsel vm12, v28, v40;
	[tilespmem:$0x230] =	vst v39  }
0x73: {  	v47 =	vld [tilespmem:$0xB0];
	vm14 =	vlt.s32 v32, $0x7A800;
	v46 =	vadd.s32 $0xFFF85800, v32;
	v45 =	vsel vm13, v30, v43;
	[tilespmem:$0x240] =	vst v42  }
0x74: {  	v50 =	vld [tilespmem:$0xC0];
	vm15 =	vlt.s32 v35, $0x7A800;
	v49 =	vadd.s32 $0xFFF85800, v35;
	v48 =	vsel vm14, v32, v46;
	[tilespmem:$0x250] =	vst v45  }
0x75: {  	v53 =	vld [tilespmem:$0xD0];
	vm4 =	vlt.s32 v38, $0x7A800;
	v52 =	vadd.s32 $0xFFF85800, v38;
	v51 =	vsel vm15, v35, v49;
	[tilespmem:$0x260] =	vst v48  }
0x76: {  	v56 =	vld [tilespmem:$0xE0];
	vm5 =	vlt.s32 v41, $0x7A800;
	v55 =	vadd.s32 $0xFFF85800, v41;
	v54 =	vsel vm4, v38, v52;
	[tilespmem:$0x270] =	vst v51  }
0x77: {  	v59 =	vld [tilespmem:$0xF0];
	vm6 =	vlt.s32 v44, $0x7A800;
	v58 =	vadd.s32 $0xFFF85800, v44;
	v57 =	vsel vm5, v41, v55;
	[tilespmem:$0x280] =	vst v54  }
0x78: {  	v62 =	vld [tilespmem:$0x100];
	vm7 =	vlt.s32 v47, $0x7A800;
	v61 =	vadd.s32 $0xFFF85800, v47;
	v60 =	vsel vm6, v44, v58;
	[tilespmem:$0x290] =	vst v57  }
0x79: {  	v10 =	vld [tilespmem:$0x110];
	v9 =	vadd.s32 $0xFFF85800, v50;
	v63 =	vsel vm7, v47, v61;
	vm8 =	vlt.s32 v50, $0x7A800;
	[tilespmem:$0x2A0] =	vst v60  }
0x7a: {  	v13 =	vld [tilespmem:$0x120];
	v12 =	vadd.s32 $0xFFF85800, v53;
	vm9 =	vlt.s32 v53, $0x7A800;
	[tilespmem:$0x2B0] =	vst v63;
	v11 =	vsel vm8, v50, v9  }
0x7b: {  	v16 =	vld [tilespmem:$0x130];
	v15 =	vadd.s32 $0xFFF85800, v56;
	vm10 =	vlt.s32 v56, $0x7A800;
	v14 =	vsel vm9, v53, v12;
	[tilespmem:$0x2C0] =	vst v11  }
0x7c: {  	v19 =	vld [tilespmem:$0x140];
	v18 =	vadd.s32 $0xFFF85800, v59;
	vm11 =	vlt.s32 v59, $0x7A800;
	v17 =	vsel vm10, v56, v15;
	[tilespmem:$0x2D0] =	vst v14  }
0x7d: {  	v22 =	vld [tilespmem:$0x150];
	v21 =	vadd.s32 $0xFFF85800, v62;
	vm12 =	vlt.s32 v62, $0x7A800;
	v20 =	vsel vm11, v59, v18;
	[tilespmem:$0x2E0] =	vst v17  }
0x7e: {  	vm13 =	vlt.s32 v10, $0x7A800;
	v24 =	vadd.s32 $0xFFF85800, v10;
	v25 =	vld [tilespmem:$0x160];
	v23 =	vsel vm12, v62, v21;
	[tilespmem:$0x2F0] =	vst v20  }
0x7f: {  	vm14 =	vlt.s32 v13, $0x7A800;
	v27 =	vadd.s32 $0xFFF85800, v13;
	v28 =	vld [tilespmem:$0x170];
	v26 =	vsel vm13, v10, v24;
	[tilespmem:$0x300] =	vst v23  }
0x80: {  	vm15 =	vlt.s32 v16, $0x7A800;
	v30 =	vadd.s32 $0xFFF85800, v16;
	v31 =	vld [tilespmem:$0x180];
	v29 =	vsel vm14, v13, v27;
	[tilespmem:$0x310] =	vst v26  }
0x81: {  	vm4 =	vlt.s32 v19, $0x7A800;
	v34 =	vld [tilespmem:$0x190];
	v32 =	vsel vm15, v16, v30;
	v33 =	vadd.s32 $0xFFF85800, v19;
	[tilespmem:$0x320] =	vst v29  }
0x82: {  	vm5 =	vlt.s32 v22, $0x7A800;
	v37 =	vld [tilespmem:$0x1A0];
	v36 =	vadd.s32 $0xFFF85800, v22;
	[tilespmem:$0x330] =	vst v32;
	v35 =	vsel vm4, v19, v33  }
0x83: {  	v40 =	vld [tilespmem:$0x1B0];
	v38 =	vsel vm5, v22, v36;
	[tilespmem:$0x340] =	vst v35;
	vm6 =	vlt.s32 v25, $0x7A800;
	v39 =	vadd.s32 $0xFFF85800, v25  }
0x84: {  	v43 =	vld [tilespmem:$0x1C0];
	[tilespmem:$0x350] =	vst v38;
	vm7 =	vlt.s32 v28, $0x7A800;
	v42 =	vadd.s32 $0xFFF85800, v28;
	v41 =	vsel vm6, v25, v39  }
0x85: {  	v46 =	vld [tilespmem:$0x1D0];
	vm8 =	vlt.s32 v31, $0x7A800;
	v45 =	vadd.s32 $0xFFF85800, v31;
	v44 =	vsel vm7, v28, v42;
	[tilespmem:$0x360] =	vst v41  }
0x86: {  	v49 =	vld [tilespmem:$0x1E0];
	vm9 =	vlt.s32 v34, $0x7A800;
	v48 =	vadd.s32 $0xFFF85800, v34;
	v47 =	vsel vm8, v31, v45;
	[tilespmem:$0x370] =	vst v44  }
0x87: {  	v52 =	vld [tilespmem:$0x1F0];
	vm10 =	vlt.s32 v37, $0x7A800;
	v51 =	vadd.s32 $0xFFF85800, v37;
	v50 =	vsel vm9, v34, v48;
	[tilespmem:$0x380] =	vst v47  }
0x88: {  	vm11 =	vlt.s32 v40, $0x7A800;
	v54 =	vadd.s32 $0xFFF85800, v40;
	v53 =	vsel vm10, v37, v51;
	[tilespmem:$0x390] =	vst v50  }
0x89: {  	vm12 =	vlt.s32 v43, $0x7A800;
	v56 =	vadd.s32 $0xFFF85800, v43;
	v55 =	vsel vm11, v40, v54;
	[tilespmem:$0x3A0] =	vst v53  }
0x8a: {  	vm13 =	vlt.s32 v46, $0x7A800;
	v58 =	vadd.s32 $0xFFF85800, v46;
	v57 =	vsel vm12, v43, v56;
	[tilespmem:$0x3B0] =	vst v55  }
0x8b: {  	vm14 =	vlt.s32 v49, $0x7A800;
	v60 =	vadd.s32 $0xFFF85800, v49;
	v59 =	vsel vm13, v46, v58;
	[tilespmem:$0x3C0] =	vst v57  }
0x8c: {  	vm15 =	vlt.s32 v52, $0x7A800;
	v62 =	vadd.s32 $0xFFF85800, v52;
	v61 =	vsel vm14, v49, v60;
	[tilespmem:$0x3D0] =	vst v59  }
0x8d: {  	v63 =	vsel vm15, v52, v62;
	[tilespmem:$0x3E0] =	vst v61  }
0x8e: {  	[tilespmem:$0x3F0] =	vst v63  }
0x8f: {  	[tilespmem:s21], [sflag:$0x1] =	stream.indirect.gather [hbm4b:s4+s17], $0x80, s20, s17, $0xb8;
	[tilespmem:$0x10400] =	vst v63  }
0x90: {  	_ = 	snop  }
0x91: {  	[tilespmem:s23], [sflag:$0x1] =	stream.indirect.gather [hbm4b:s4+s17], $0x80, s22, s17, $0xb8;
	[tilespmem:$0x10400] =	vst v63  }
0x92: {  	_ = 	snop  }
0x93: {  	[tilespmem:s25], [sflag:$0x1] =	stream.indirect.gather [hbm4b:s4+s17], $0x80, s24, s17, $0xb8;
	[tilespmem:$0x10400] =	vst v63  }
0x94: {  	_ = 	snop  }
0x95: {  	[tilespmem:s28], [sflag:$0x1] =	stream.indirect.gather [hbm4b:s4+s17], $0x80, s26, s17, $0xb8;
	[tilespmem:$0x10400] =	vst v63  }
0x96: {  	_ =	swait.ge [sflag:s29], $0x10000  }
0x97: {  	p0 =	sne.s32 s15, $0x1;
	[sflag:s29] =	ssyncset.done $0x0  }
.Ltmp0:
0x98: {  	[sflag:s29] =	ssyncadd.s32 $0xFFFF0000;
	(pc) =	sbr.rel @p0 .LBB2_1-.Ltmp0, $4  }
0x99: {  	[hbm4b:s14+s2] =	stream.linear.scatter [tilespmem:s21], [sflag:$0x2], $0x10000, $0x38;
	[tilespmem:$0x10400] =	vst v63  }
0x9a: {  	_ =	swait.ge [sflag:s16], $0x10000  }
0x9b: {  	[sflag:s16] =	ssyncset.done $0x0  }
0x9c: {  	s15 =	sadd.s32 $0xFFFFFFFF, s15;
	[sflag:s16] =	ssyncadd.s32 $0xFFFF0000  }
0x9d: {  	_ =	sfence.sel $0x180000  }
0x9e: {  	[bflag:$0x0] =	sbarrier.arrive $0xFFFF  }
0x9f: {  	p0 =	sne.s32 s1, $0x0;
	_ =	strace $0x90000047  }
0xa0: {  	s0 =	sadd.s32 @!p0 $0x100000, s0;
	[bflag:$0x2] =	sbarrier.arrive $0xFFFF  }
0xa1: {  	[sflag:s0] =	ssyncadd.tile.s32 @!p0 $0x1;
	_ =	shalt  }
.Lfunc_end2:
_tile_overlayer_lowered:
.L_overlay_start_2:
0xa2: {  	(tag) =	ssettag $0x2  }
0xa3: {  	s0 =	rddreg [dreg:$0x0];
	s2 =	stileid.u32  }
0xa4: {  	s1 =	rddreg [dreg:$0x1];
	p0 =	sne.s32 s2, $0x0  }
0xa5: {  	s3 =	rddreg [dreg:$0x2];
	[bflag:$0x3] =	sbarrier.arrive $0xFFFF;
	s2 =	simm.s32 @!p0 $0x1C02  }
0xa6: {  	[timem:s3], [sflag:s2] =	dma.local @!p0 [hbm:s0], s1  }
0xa7: {  	s0 =	simm.s32 @!p0 $0x2  }
0xa8: {  	_ =	swait.ge @!p0 [sflag:s0], s1  }
0xa9: {  	s1 =	ssub.s32 @!p0 $0x0, s1;
	[sflag:s0] =	ssyncset.done @!p0 $0x0  }
0xaa: {  	[sflag:s0] =	ssyncadd.s32 @!p0 s1  }
0xab: {  	[bflag:$0x3] =	sbarrier.arrive $0xFFFF  }
0xac: {  	_ =	shalt  }

</sc_bundles>
